<compile_context>
chip_gen: v7x
topology: tpu7x:2x2x1
jax: 0.10.2.dev20260603
libtpu: 0.0.44.dev20260713+nightly
codegen_flags: <defaults>
</compile_context>

<pallas_src>
import functools

import jax
import jax.numpy as jnp
from jax import lax
from jax.experimental import pallas as pl
from jax.experimental.pallas import tpu as pltpu
from jax.experimental.pallas import tpu_sc as plsc


def _make_bcast_kernel(batch, seq, dim):
    info = plsc.get_sparse_core_info()
    nc, ns = info.num_cores, info.num_subcores
    nw = nc * ns
    assert seq % nw == 0
    rows_per_w = seq // nw
    chunk = 16
    while rows_per_w % chunk:
        chunk //= 2
    n_chunks = rows_per_w // chunk
    n_a = (batch + 1) // 2
    n_b = batch - n_a

    mesh = plsc.VectorSubcoreMesh(core_axis_name="c", subcore_axis_name="s")

    @functools.partial(
        pl.kernel,
        mesh=mesh,
        out_type=jax.ShapeDtypeStruct((batch, seq, dim), jnp.float32),
        scratch_types=[
            pltpu.VMEM((chunk, dim), jnp.float32),
            pltpu.VMEM((chunk, dim), jnp.float32),
            pltpu.VMEM_SHARED((ns, chunk, dim), jnp.float32),
            pltpu.VMEM_SHARED((ns, chunk, dim), jnp.float32),
            pltpu.SemaphoreType.DMA,
            pltpu.SemaphoreType.DMA,
            pltpu.SemaphoreType.DMA,
            pltpu.SemaphoreType.DMA,
        ],
    )
    def bcast(table_hbm, out_hbm, tb0, tb1, sb0, sb1, rsem, wsem, srsem, swsem):
        sid = lax.axis_index("s")
        wid = sid * nc + lax.axis_index("c")
        base = wid * rows_per_w
        tbufs = (tb0, tb1)
        sbufs = (sb0, sb1)
        reads_a = [None, None]
        writes_a = [None, None]
        reads_b = [None, None]
        writes_b = [None, None]
        reads_a[0] = pltpu.async_copy(
            table_hbm.at[pl.ds(base, chunk)], tbufs[0], rsem
        )
        if n_b:
            reads_b[0] = pltpu.async_copy(
                table_hbm.at[pl.ds(base, chunk)], sbufs[0].at[sid], srsem
            )
        for i in range(n_chunks):
            cur = i % 2
            nxt = (i + 1) % 2
            row0 = base + i * chunk
            if i + 1 < n_chunks:
                row_n = base + (i + 1) * chunk
                if writes_a[nxt] is not None:
                    for d in writes_a[nxt]:
                        d.wait()
                    writes_a[nxt] = None
                reads_a[nxt] = pltpu.async_copy(
                    table_hbm.at[pl.ds(row_n, chunk)], tbufs[nxt], rsem
                )
                if n_b:
                    if writes_b[nxt] is not None:
                        for d in writes_b[nxt]:
                            d.wait()
                        writes_b[nxt] = None
                    reads_b[nxt] = pltpu.async_copy(
                        table_hbm.at[pl.ds(row_n, chunk)], sbufs[nxt].at[sid], srsem
                    )
            reads_a[cur].wait()
            writes_a[cur] = [
                pltpu.async_copy(
                    tbufs[cur], out_hbm.at[b, pl.ds(row0, chunk)], wsem
                )
                for b in range(n_a)
            ]
            if n_b:
                reads_b[cur].wait()
                writes_b[cur] = [
                    pltpu.async_copy(
                        sbufs[cur].at[sid], out_hbm.at[n_a + b, pl.ds(row0, chunk)], swsem
                    )
                    for b in range(n_b)
                ]
        for pending in writes_a + writes_b:
            if pending is not None:
                for d in pending:
                    d.wait()

    return bcast


def kernel(x, position_embedding):
    batch, seq, dim = x.shape
    fn = _make_bcast_kernel(batch, seq, dim)
    return fn(position_embedding)

# --- scband reference (transcript-rebuilt; emitter-appended) ---
"""Pipeline reference for scband-positional-encoding-12146167513420 (READ-ONLY COPY).

The authoritative reference and input builder live on the scoring server;
editing this copy changes nothing except your own understanding.
"""

import jax, jax.numpy as jnp
import numpy as np

MAX_CTX = 8192
DIM = 2048
BATCH = 4
SEQ = 4096

def setup_inputs(seed: int = 0) -> dict:
    key = jax.random.key(seed)
    kx, kt = jax.random.split(key)
    x = jax.random.normal(kx, (BATCH, SEQ, DIM), dtype=jnp.float32)
    position_embedding = jax.random.normal(kt, (MAX_CTX, DIM), dtype=jnp.float32) * 0.02
    return {"x": x, "position_embedding": position_embedding}

def reference(x, position_embedding):
    batch_size, seq_len, _ = x.shape
    pos = jnp.arange(seq_len, dtype=jnp.int32)
    pos_emb = jnp.take(position_embedding, pos, axis=0)  # [S, D]
    # torch: pos_emb.repeat(batch_size, 1).view(batch_size, seq_len, -1) == tile over batch
    pos_emb = jnp.tile(pos_emb[None, :, :], (batch_size, 1, 1))
    return pos_emb

if __name__ == "__main__":
    import jax
    _d = setup_inputs()
    print(jax.jit(kernel)(*tuple(_d.values())))

</pallas_src>

<mosaic_0001>
#map = affine_map<(d0, d1) -> (0, 0)>
#map1 = affine_map<(d0, d1) -> (0, 0, 0)>
module attributes {stable_mosaic.version = 14 : i64} {
  func.func @bcast(%arg0: i32, %arg1: i32, %arg2: memref<8192x2048xf32, #tpu.memory_space<hbm>>, %arg3: memref<4x4096x2048xf32, #tpu.memory_space<hbm>>, %arg4: memref<16x2048xf32, #tpu.memory_space<vmem>>, %arg5: memref<16x2048xf32, #tpu.memory_space<vmem>>, %arg6: memref<16x16x2048xf32, #tpu.memory_space<vmem_shared>>, %arg7: memref<16x16x2048xf32, #tpu.memory_space<vmem_shared>>, %arg8: memref<!tpu.dma_semaphore, #tpu.memory_space<semaphore_mem>>, %arg9: memref<!tpu.dma_semaphore, #tpu.memory_space<semaphore_mem>>, %arg10: memref<!tpu.dma_semaphore, #tpu.memory_space<semaphore_mem>>, %arg11: memref<!tpu.dma_semaphore, #tpu.memory_space<semaphore_mem>>) attributes {dimension_semantics = [#tpu.dimension_semantics<core_parallel>, #tpu.dimension_semantics<subcore_parallel>], iteration_bounds = array<i64: 2, 16>, scalar_prefetch = 0 : i64, scratch_operands = 8 : i64, tpu.core_type = #tpu.core_type<sc_vector_subcore>, window_params = [{transform_indices = #map}, {transform_indices = #map1}]} {
    %mul3A = arith.constant 2 : i32
    %mul3A_0 = arith.muli %arg1, %mul3A : i32
    %add3A = arith.addi %mul3A_0, %arg0 : i32
    %mul3A_1 = arith.constant 128 : i32
    %mul3A_2 = arith.muli %add3A, %mul3A_1 : i32
    %dma_start3A = arith.constant 0 : i32
    %dma_start3A_3 = tpu.memref_slice %arg2[%mul3A_2, %dma_start3A] : memref<8192x2048xf32, #tpu.memory_space<hbm>> -> memref<16x2048xf32, #tpu.memory_space<hbm>>
    %dma_start3A_4 = arith.constant 0 : i32
    %dma_start3A_5 = tpu.memref_slice %arg2[%mul3A_2, %dma_start3A_4] : memref<8192x2048xf32, #tpu.memory_space<hbm>> -> memref<16x2048xf32, #tpu.memory_space<hbm>>
    tpu.enqueue_dma source(%dma_start3A_5 : memref<16x2048xf32, #tpu.memory_space<hbm>>) target(%arg4 : memref<16x2048xf32, #tpu.memory_space<vmem>>) target_semaphore(%arg8 : memref<!tpu.dma_semaphore, #tpu.memory_space<semaphore_mem>>)
    %dma_start3A_6 = arith.constant 0 : i32
    %dma_start3A_7 = arith.constant 0 : i32
    %dma_start3A_8 = tpu.memref_slice %arg6[%arg1, %dma_start3A_6, %dma_start3A_7] : memref<16x16x2048xf32, #tpu.memory_space<vmem_shared>> -> memref<1x16x2048xf32, #tpu.memory_space<vmem_shared>>
    %dma_start3A_9 = tpu.memref_squeeze %dma_start3A_8 : memref<1x16x2048xf32, #tpu.memory_space<vmem_shared>> -> memref<16x2048xf32, #tpu.memory_space<vmem_shared>>
    %dma_start3A_10 = arith.constant 0 : i32
    %dma_start3A_11 = tpu.memref_slice %arg2[%mul3A_2, %dma_start3A_10] : memref<8192x2048xf32, #tpu.memory_space<hbm>> -> memref<16x2048xf32, #tpu.memory_space<hbm>>
    tpu.enqueue_dma source(%dma_start3A_11 : memref<16x2048xf32, #tpu.memory_space<hbm>>) target(%dma_start3A_9 : memref<16x2048xf32, #tpu.memory_space<vmem_shared>>) target_semaphore(%arg10 : memref<!tpu.dma_semaphore, #tpu.memory_space<semaphore_mem>>)
    %add3A_12 = arith.constant 0 : i32
    %add3A_13 = arith.addi %mul3A_2, %add3A_12 : i32
    %add3A_14 = arith.constant 16 : i32
    %add3A_15 = arith.addi %mul3A_2, %add3A_14 : i32
    %dma_start3A_16 = arith.constant 0 : i32
    %dma_start3A_17 = tpu.memref_slice %arg2[%add3A_15, %dma_start3A_16] : memref<8192x2048xf32, #tpu.memory_space<hbm>> -> memref<16x2048xf32, #tpu.memory_space<hbm>>
    %dma_start3A_18 = arith.constant 0 : i32
    %dma_start3A_19 = tpu.memref_slice %arg2[%add3A_15, %dma_start3A_18] : memref<8192x2048xf32, #tpu.memory_space<hbm>> -> memref<16x2048xf32, #tpu.memory_space<hbm>>
    tpu.enqueue_dma source(%dma_start3A_19 : memref<16x2048xf32, #tpu.memory_space<hbm>>) target(%arg5 : memref<16x2048xf32, #tpu.memory_space<vmem>>) target_semaphore(%arg8 : memref<!tpu.dma_semaphore, #tpu.memory_space<semaphore_mem>>)
    %dma_start3A_20 = arith.constant 0 : i32
    %dma_start3A_21 = arith.constant 0 : i32
    %dma_start3A_22 = tpu.memref_slice %arg7[%arg1, %dma_start3A_20, %dma_start3A_21] : memref<16x16x2048xf32, #tpu.memory_space<vmem_shared>> -> memref<1x16x2048xf32, #tpu.memory_space<vmem_shared>>
    %dma_start3A_23 = tpu.memref_squeeze %dma_start3A_22 : memref<1x16x2048xf32, #tpu.memory_space<vmem_shared>> -> memref<16x2048xf32, #tpu.memory_space<vmem_shared>>
    %dma_start3A_24 = arith.constant 0 : i32
    %dma_start3A_25 = tpu.memref_slice %arg2[%add3A_15, %dma_start3A_24] : memref<8192x2048xf32, #tpu.memory_space<hbm>> -> memref<16x2048xf32, #tpu.memory_space<hbm>>
    tpu.enqueue_dma source(%dma_start3A_25 : memref<16x2048xf32, #tpu.memory_space<hbm>>) target(%dma_start3A_23 : memref<16x2048xf32, #tpu.memory_space<vmem_shared>>) target_semaphore(%arg10 : memref<!tpu.dma_semaphore, #tpu.memory_space<semaphore_mem>>)
    %dma_wait3A = arith.constant 0 : i32
    %dma_wait3A_26 = tpu.memref_slice %arg2[%mul3A_2, %dma_wait3A] : memref<8192x2048xf32, #tpu.memory_space<hbm>> -> memref<16x2048xf32, #tpu.memory_space<hbm>>
    %dma_wait3A_27 = arith.constant 0 : i32
    %dma_wait3A_28 = tpu.memref_slice %arg2[%mul3A_2, %dma_wait3A_27] : memref<8192x2048xf32, #tpu.memory_space<hbm>> -> memref<16x2048xf32, #tpu.memory_space<hbm>>
    tpu.wait_dma2 semaphore(%arg8 : memref<!tpu.dma_semaphore, #tpu.memory_space<semaphore_mem>>) src(%dma_wait3A_28 : memref<16x2048xf32, #tpu.memory_space<hbm>>) dst(%arg4 : memref<16x2048xf32, #tpu.memory_space<vmem>>)
    %dma_start3A_29 = arith.constant 0 : i32
    %dma_start3A_30 = arith.constant 0 : i32
    %dma_start3A_31 = tpu.memref_slice %arg3[%dma_start3A_29, %add3A_13, %dma_start3A_30] : memref<4x4096x2048xf32, #tpu.memory_space<hbm>> -> memref<1x16x2048xf32, #tpu.memory_space<hbm>>
    %dma_start3A_32 = tpu.memref_squeeze %dma_start3A_31 : memref<1x16x2048xf32, #tpu.memory_space<hbm>> -> memref<16x2048xf32, #tpu.memory_space<hbm>>
    %dma_start3A_33 = arith.constant 0 : i32
    %dma_start3A_34 = tpu.memref_slice %arg3[%dma_start3A_29, %add3A_13, %dma_start3A_33] : memref<4x4096x2048xf32, #tpu.memory_space<hbm>> -> memref<1x16x2048xf32, #tpu.memory_space<hbm>>
    %dma_start3A_35 = tpu.memref_squeeze %dma_start3A_34 : memref<1x16x2048xf32, #tpu.memory_space<hbm>> -> memref<16x2048xf32, #tpu.memory_space<hbm>>
    tpu.enqueue_dma source(%arg4 : memref<16x2048xf32, #tpu.memory_space<vmem>>) target(%dma_start3A_35 : memref<16x2048xf32, #tpu.memory_space<hbm>>) target_semaphore(%arg9 : memref<!tpu.dma_semaphore, #tpu.memory_space<semaphore_mem>>)
    %dma_start3A_36 = arith.constant 1 : i32
    %dma_start3A_37 = arith.constant 0 : i32
    %dma_start3A_38 = tpu.memref_slice %arg3[%dma_start3A_36, %add3A_13, %dma_start3A_37] : memref<4x4096x2048xf32, #tpu.memory_space<hbm>> -> memref<1x16x2048xf32, #tpu.memory_space<hbm>>
    %dma_start3A_39 = tpu.memref_squeeze %dma_start3A_38 : memref<1x16x2048xf32, #tpu.memory_space<hbm>> -> memref<16x2048xf32, #tpu.memory_space<hbm>>
    %dma_start3A_40 = arith.constant 0 : i32
    %dma_start3A_41 = tpu.memref_slice %arg3[%dma_start3A_36, %add3A_13, %dma_start3A_40] : memref<4x4096x2048xf32, #tpu.memory_space<hbm>> -> memref<1x16x2048xf32, #tpu.memory_space<hbm>>
    %dma_start3A_42 = tpu.memref_squeeze %dma_start3A_41 : memref<1x16x2048xf32, #tpu.memory_space<hbm>> -> memref<16x2048xf32, #tpu.memory_space<hbm>>
    tpu.enqueue_dma source(%arg4 : memref<16x2048xf32, #tpu.memory_space<vmem>>) target(%dma_start3A_42 : memref<16x2048xf32, #tpu.memory_space<hbm>>) target_semaphore(%arg9 : memref<!tpu.dma_semaphore, #tpu.memory_space<semaphore_mem>>)
    %dma_wait3A_43 = arith.constant 0 : i32
    %dma_wait3A_44 = arith.constant 0 : i32
    %dma_wait3A_45 = tpu.memref_slice %arg6[%arg1, %dma_wait3A_43, %dma_wait3A_44] : memref<16x16x2048xf32, #tpu.memory_space<vmem_shared>> -> memref<1x16x2048xf32, #tpu.memory_space<vmem_shared>>
    %dma_wait3A_46 = tpu.memref_squeeze %dma_wait3A_45 : memref<1x16x2048xf32, #tpu.memory_space<vmem_shared>> -> memref<16x2048xf32, #tpu.memory_space<vmem_shared>>
    %dma_wait3A_47 = arith.constant 0 : i32
    %dma_wait3A_48 = tpu.memref_slice %arg2[%mul3A_2, %dma_wait3A_47] : memref<8192x2048xf32, #tpu.memory_space<hbm>> -> memref<16x2048xf32, #tpu.memory_space<hbm>>
    tpu.wait_dma2 semaphore(%arg10 : memref<!tpu.dma_semaphore, #tpu.memory_space<semaphore_mem>>) src(%dma_wait3A_48 : memref<16x2048xf32, #tpu.memory_space<hbm>>) dst(%dma_wait3A_46 : memref<16x2048xf32, #tpu.memory_space<vmem_shared>>)
    %dma_start3A_49 = arith.constant 2 : i32
    %dma_start3A_50 = arith.constant 0 : i32
    %dma_start3A_51 = tpu.memref_slice %arg3[%dma_start3A_49, %add3A_13, %dma_start3A_50] : memref<4x4096x2048xf32, #tpu.memory_space<hbm>> -> memref<1x16x2048xf32, #tpu.memory_space<hbm>>
    %dma_start3A_52 = tpu.memref_squeeze %dma_start3A_51 : memref<1x16x2048xf32, #tpu.memory_space<hbm>> -> memref<16x2048xf32, #tpu.memory_space<hbm>>
    %dma_start3A_53 = arith.constant 0 : i32
    %dma_start3A_54 = arith.constant 0 : i32
    %dma_start3A_55 = tpu.memref_slice %arg6[%arg1, %dma_start3A_53, %dma_start3A_54] : memref<16x16x2048xf32, #tpu.memory_space<vmem_shared>> -> memref<1x16x2048xf32, #tpu.memory_space<vmem_shared>>
    %dma_start3A_56 = tpu.memref_squeeze %dma_start3A_55 : memref<1x16x2048xf32, #tpu.memory_space<vmem_shared>> -> memref<16x2048xf32, #tpu.memory_space<vmem_shared>>
    tpu.enqueue_dma source(%dma_start3A_56 : memref<16x2048xf32, #tpu.memory_space<vmem_shared>>) target(%dma_start3A_52 : memref<16x2048xf32, #tpu.memory_space<hbm>>) target_semaphore(%arg11 : memref<!tpu.dma_semaphore, #tpu.memory_space<semaphore_mem>>)
    %dma_start3A_57 = arith.constant 3 : i32
    %dma_start3A_58 = arith.constant 0 : i32
    %dma_start3A_59 = tpu.memref_slice %arg3[%dma_start3A_57, %add3A_13, %dma_start3A_58] : memref<4x4096x2048xf32, #tpu.memory_space<hbm>> -> memref<1x16x2048xf32, #tpu.memory_space<hbm>>
    %dma_start3A_60 = tpu.memref_squeeze %dma_start3A_59 : memref<1x16x2048xf32, #tpu.memory_space<hbm>> -> memref<16x2048xf32, #tpu.memory_space<hbm>>
    %dma_start3A_61 = arith.constant 0 : i32
    %dma_start3A_62 = arith.constant 0 : i32
    %dma_start3A_63 = tpu.memref_slice %arg6[%arg1, %dma_start3A_61, %dma_start3A_62] : memref<16x16x2048xf32, #tpu.memory_space<vmem_shared>> -> memref<1x16x2048xf32, #tpu.memory_space<vmem_shared>>
    %dma_start3A_64 = tpu.memref_squeeze %dma_start3A_63 : memref<1x16x2048xf32, #tpu.memory_space<vmem_shared>> -> memref<16x2048xf32, #tpu.memory_space<vmem_shared>>
    tpu.enqueue_dma source(%dma_start3A_64 : memref<16x2048xf32, #tpu.memory_space<vmem_shared>>) target(%dma_start3A_60 : memref<16x2048xf32, #tpu.memory_space<hbm>>) target_semaphore(%arg11 : memref<!tpu.dma_semaphore, #tpu.memory_space<semaphore_mem>>)
    %add3A_65 = arith.constant 16 : i32
    %add3A_66 = arith.addi %mul3A_2, %add3A_65 : i32
    %add3A_67 = arith.constant 32 : i32
    %add3A_68 = arith.addi %mul3A_2, %add3A_67 : i32
    %dma_wait3A_69 = arith.constant 0 : i32
    %dma_wait3A_70 = arith.constant 0 : i32
    %dma_wait3A_71 = tpu.memref_slice %arg3[%dma_wait3A_69, %add3A_13, %dma_wait3A_70] : memref<4x4096x2048xf32, #tpu.memory_space<hbm>> -> memref<1x16x2048xf32, #tpu.memory_space<hbm>>
    %dma_wait3A_72 = tpu.memref_squeeze %dma_wait3A_71 : memref<1x16x2048xf32, #tpu.memory_space<hbm>> -> memref<16x2048xf32, #tpu.memory_space<hbm>>
    %dma_wait3A_73 = arith.constant 0 : i32
    %dma_wait3A_74 = tpu.memref_slice %arg3[%dma_wait3A_69, %add3A_13, %dma_wait3A_73] : memref<4x4096x2048xf32, #tpu.memory_space<hbm>> -> memref<1x16x2048xf32, #tpu.memory_space<hbm>>
    %dma_wait3A_75 = tpu.memref_squeeze %dma_wait3A_74 : memref<1x16x2048xf32, #tpu.memory_space<hbm>> -> memref<16x2048xf32, #tpu.memory_space<hbm>>
    tpu.wait_dma2 semaphore(%arg9 : memref<!tpu.dma_semaphore, #tpu.memory_space<semaphore_mem>>) src(%arg4 : memref<16x2048xf32, #tpu.memory_space<vmem>>) dst(%dma_wait3A_75 : memref<16x2048xf32, #tpu.memory_space<hbm>>)
    %dma_wait3A_76 = arith.constant 1 : i32
    %dma_wait3A_77 = arith.constant 0 : i32
    %dma_wait3A_78 = tpu.memref_slice %arg3[%dma_wait3A_76, %add3A_13, %dma_wait3A_77] : memref<4x4096x2048xf32, #tpu.memory_space<hbm>> -> memref<1x16x2048xf32, #tpu.memory_space<hbm>>
    %dma_wait3A_79 = tpu.memref_squeeze %dma_wait3A_78 : memref<1x16x2048xf32, #tpu.memory_space<hbm>> -> memref<16x2048xf32, #tpu.memory_space<hbm>>
    %dma_wait3A_80 = arith.constant 0 : i32
    %dma_wait3A_81 = tpu.memref_slice %arg3[%dma_wait3A_76, %add3A_13, %dma_wait3A_80] : memref<4x4096x2048xf32, #tpu.memory_space<hbm>> -> memref<1x16x2048xf32, #tpu.memory_space<hbm>>
    %dma_wait3A_82 = tpu.memref_squeeze %dma_wait3A_81 : memref<1x16x2048xf32, #tpu.memory_space<hbm>> -> memref<16x2048xf32, #tpu.memory_space<hbm>>
    tpu.wait_dma2 semaphore(%arg9 : memref<!tpu.dma_semaphore, #tpu.memory_space<semaphore_mem>>) src(%arg4 : memref<16x2048xf32, #tpu.memory_space<vmem>>) dst(%dma_wait3A_82 : memref<16x2048xf32, #tpu.memory_space<hbm>>)
    %dma_start3A_83 = arith.constant 0 : i32
    %dma_start3A_84 = tpu.memref_slice %arg2[%add3A_68, %dma_start3A_83] : memref<8192x2048xf32, #tpu.memory_space<hbm>> -> memref<16x2048xf32, #tpu.memory_space<hbm>>
    %dma_start3A_85 = arith.constant 0 : i32
    %dma_start3A_86 = tpu.memref_slice %arg2[%add3A_68, %dma_start3A_85] : memref<8192x2048xf32, #tpu.memory_space<hbm>> -> memref<16x2048xf32, #tpu.memory_space<hbm>>
    tpu.enqueue_dma source(%dma_start3A_86 : memref<16x2048xf32, #tpu.memory_space<hbm>>) target(%arg4 : memref<16x2048xf32, #tpu.memory_space<vmem>>) target_semaphore(%arg8 : memref<!tpu.dma_semaphore, #tpu.memory_space<semaphore_mem>>)
    %dma_wait3A_87 = arith.constant 2 : i32
    %dma_wait3A_88 = arith.constant 0 : i32
    %dma_wait3A_89 = tpu.memref_slice %arg3[%dma_wait3A_87, %add3A_13, %dma_wait3A_88] : memref<4x4096x2048xf32, #tpu.memory_space<hbm>> -> memref<1x16x2048xf32, #tpu.memory_space<hbm>>
    %dma_wait3A_90 = tpu.memref_squeeze %dma_wait3A_89 : memref<1x16x2048xf32, #tpu.memory_space<hbm>> -> memref<16x2048xf32, #tpu.memory_space<hbm>>
    %dma_wait3A_91 = arith.constant 0 : i32
    %dma_wait3A_92 = arith.constant 0 : i32
    %dma_wait3A_93 = tpu.memref_slice %arg6[%arg1, %dma_wait3A_91, %dma_wait3A_92] : memref<16x16x2048xf32, #tpu.memory_space<vmem_shared>> -> memref<1x16x2048xf32, #tpu.memory_space<vmem_shared>>
    %dma_wait3A_94 = tpu.memref_squeeze %dma_wait3A_93 : memref<1x16x2048xf32, #tpu.memory_space<vmem_shared>> -> memref<16x2048xf32, #tpu.memory_space<vmem_shared>>
    tpu.wait_dma2 semaphore(%arg11 : memref<!tpu.dma_semaphore, #tpu.memory_space<semaphore_mem>>) src(%dma_wait3A_94 : memref<16x2048xf32, #tpu.memory_space<vmem_shared>>) dst(%dma_wait3A_90 : memref<16x2048xf32, #tpu.memory_space<hbm>>)
    %dma_wait3A_95 = arith.constant 3 : i32
    %dma_wait3A_96 = arith.constant 0 : i32
    %dma_wait3A_97 = tpu.memref_slice %arg3[%dma_wait3A_95, %add3A_13, %dma_wait3A_96] : memref<4x4096x2048xf32, #tpu.memory_space<hbm>> -> memref<1x16x2048xf32, #tpu.memory_space<hbm>>
    %dma_wait3A_98 = tpu.memref_squeeze %dma_wait3A_97 : memref<1x16x2048xf32, #tpu.memory_space<hbm>> -> memref<16x2048xf32, #tpu.memory_space<hbm>>
    %dma_wait3A_99 = arith.constant 0 : i32
    %dma_wait3A_100 = arith.constant 0 : i32
    %dma_wait3A_101 = tpu.memref_slice %arg6[%arg1, %dma_wait3A_99, %dma_wait3A_100] : memref<16x16x2048xf32, #tpu.memory_space<vmem_shared>> -> memref<1x16x2048xf32, #tpu.memory_space<vmem_shared>>
    %dma_wait3A_102 = tpu.memref_squeeze %dma_wait3A_101 : memref<1x16x2048xf32, #tpu.memory_space<vmem_shared>> -> memref<16x2048xf32, #tpu.memory_space<vmem_shared>>
    tpu.wait_dma2 semaphore(%arg11 : memref<!tpu.dma_semaphore, #tpu.memory_space<semaphore_mem>>) src(%dma_wait3A_102 : memref<16x2048xf32, #tpu.memory_space<vmem_shared>>) dst(%dma_wait3A_98 : memref<16x2048xf32, #tpu.memory_space<hbm>>)
    %dma_start3A_103 = arith.constant 0 : i32
    %dma_start3A_104 = arith.constant 0 : i32
    %dma_start3A_105 = tpu.memref_slice %arg6[%arg1, %dma_start3A_103, %dma_start3A_104] : memref<16x16x2048xf32, #tpu.memory_space<vmem_shared>> -> memref<1x16x2048xf32, #tpu.memory_space<vmem_shared>>
    %dma_start3A_106 = tpu.memref_squeeze %dma_start3A_105 : memref<1x16x2048xf32, #tpu.memory_space<vmem_shared>> -> memref<16x2048xf32, #tpu.memory_space<vmem_shared>>
    %dma_start3A_107 = arith.constant 0 : i32
    %dma_start3A_108 = tpu.memref_slice %arg2[%add3A_68, %dma_start3A_107] : memref<8192x2048xf32, #tpu.memory_space<hbm>> -> memref<16x2048xf32, #tpu.memory_space<hbm>>
    tpu.enqueue_dma source(%dma_start3A_108 : memref<16x2048xf32, #tpu.memory_space<hbm>>) target(%dma_start3A_106 : memref<16x2048xf32, #tpu.memory_space<vmem_shared>>) target_semaphore(%arg10 : memref<!tpu.dma_semaphore, #tpu.memory_space<semaphore_mem>>)
    %dma_wait3A_109 = arith.constant 0 : i32
    %dma_wait3A_110 = tpu.memref_slice %arg2[%add3A_15, %dma_wait3A_109] : memref<8192x2048xf32, #tpu.memory_space<hbm>> -> memref<16x2048xf32, #tpu.memory_space<hbm>>
    %dma_wait3A_111 = arith.constant 0 : i32
    %dma_wait3A_112 = tpu.memref_slice %arg2[%add3A_15, %dma_wait3A_111] : memref<8192x2048xf32, #tpu.memory_space<hbm>> -> memref<16x2048xf32, #tpu.memory_space<hbm>>
    tpu.wait_dma2 semaphore(%arg8 : memref<!tpu.dma_semaphore, #tpu.memory_space<semaphore_mem>>) src(%dma_wait3A_112 : memref<16x2048xf32, #tpu.memory_space<hbm>>) dst(%arg5 : memref<16x2048xf32, #tpu.memory_space<vmem>>)
    %dma_start3A_113 = arith.constant 0 : i32
    %dma_start3A_114 = arith.constant 0 : i32
    %dma_start3A_115 = tpu.memref_slice %arg3[%dma_start3A_113, %add3A_66, %dma_start3A_114] : memref<4x4096x2048xf32, #tpu.memory_space<hbm>> -> memref<1x16x2048xf32, #tpu.memory_space<hbm>>
    %dma_start3A_116 = tpu.memref_squeeze %dma_start3A_115 : memref<1x16x2048xf32, #tpu.memory_space<hbm>> -> memref<16x2048xf32, #tpu.memory_space<hbm>>
    %dma_start3A_117 = arith.constant 0 : i32
    %dma_start3A_118 = tpu.memref_slice %arg3[%dma_start3A_113, %add3A_66, %dma_start3A_117] : memref<4x4096x2048xf32, #tpu.memory_space<hbm>> -> memref<1x16x2048xf32, #tpu.memory_space<hbm>>
    %dma_start3A_119 = tpu.memref_squeeze %dma_start3A_118 : memref<1x16x2048xf32, #tpu.memory_space<hbm>> -> memref<16x2048xf32, #tpu.memory_space<hbm>>
    tpu.enqueue_dma source(%arg5 : memref<16x2048xf32, #tpu.memory_space<vmem>>) target(%dma_start3A_119 : memref<16x2048xf32, #tpu.memory_space<hbm>>) target_semaphore(%arg9 : memref<!tpu.dma_semaphore, #tpu.memory_space<semaphore_mem>>)
    %dma_start3A_120 = arith.constant 1 : i32
    %dma_start3A_121 = arith.constant 0 : i32
    %dma_start3A_122 = tpu.memref_slice %arg3[%dma_start3A_120, %add3A_66, %dma_start3A_121] : memref<4x4096x2048xf32, #tpu.memory_space<hbm>> -> memref<1x16x2048xf32, #tpu.memory_space<hbm>>
    %dma_start3A_123 = tpu.memref_squeeze %dma_start3A_122 : memref<1x16x2048xf32, #tpu.memory_space<hbm>> -> memref<16x2048xf32, #tpu.memory_space<hbm>>
    %dma_start3A_124 = arith.constant 0 : i32
    %dma_start3A_125 = tpu.memref_slice %arg3[%dma_start3A_120, %add3A_66, %dma_start3A_124] : memref<4x4096x2048xf32, #tpu.memory_space<hbm>> -> memref<1x16x2048xf32, #tpu.memory_space<hbm>>
    %dma_start3A_126 = tpu.memref_squeeze %dma_start3A_125 : memref<1x16x2048xf32, #tpu.memory_space<hbm>> -> memref<16x2048xf32, #tpu.memory_space<hbm>>
    tpu.enqueue_dma source(%arg5 : memref<16x2048xf32, #tpu.memory_space<vmem>>) target(%dma_start3A_126 : memref<16x2048xf32, #tpu.memory_space<hbm>>) target_semaphore(%arg9 : memref<!tpu.dma_semaphore, #tpu.memory_space<semaphore_mem>>)
    %dma_wait3A_127 = arith.constant 0 : i32
    %dma_wait3A_128 = arith.constant 0 : i32
    %dma_wait3A_129 = tpu.memref_slice %arg7[%arg1, %dma_wait3A_127, %dma_wait3A_128] : memref<16x16x2048xf32, #tpu.memory_space<vmem_shared>> -> memref<1x16x2048xf32, #tpu.memory_space<vmem_shared>>
    %dma_wait3A_130 = tpu.memref_squeeze %dma_wait3A_129 : memref<1x16x2048xf32, #tpu.memory_space<vmem_shared>> -> memref<16x2048xf32, #tpu.memory_space<vmem_shared>>
    %dma_wait3A_131 = arith.constant 0 : i32
    %dma_wait3A_132 = tpu.memref_slice %arg2[%add3A_15, %dma_wait3A_131] : memref<8192x2048xf32, #tpu.memory_space<hbm>> -> memref<16x2048xf32, #tpu.memory_space<hbm>>
    tpu.wait_dma2 semaphore(%arg10 : memref<!tpu.dma_semaphore, #tpu.memory_space<semaphore_mem>>) src(%dma_wait3A_132 : memref<16x2048xf32, #tpu.memory_space<hbm>>) dst(%dma_wait3A_130 : memref<16x2048xf32, #tpu.memory_space<vmem_shared>>)
    %dma_start3A_133 = arith.constant 2 : i32
    %dma_start3A_134 = arith.constant 0 : i32
    %dma_start3A_135 = tpu.memref_slice %arg3[%dma_start3A_133, %add3A_66, %dma_start3A_134] : memref<4x4096x2048xf32, #tpu.memory_space<hbm>> -> memref<1x16x2048xf32, #tpu.memory_space<hbm>>
    %dma_start3A_136 = tpu.memref_squeeze %dma_start3A_135 : memref<1x16x2048xf32, #tpu.memory_space<hbm>> -> memref<16x2048xf32, #tpu.memory_space<hbm>>
    %dma_start3A_137 = arith.constant 0 : i32
    %dma_start3A_138 = arith.constant 0 : i32
    %dma_start3A_139 = tpu.memref_slice %arg7[%arg1, %dma_start3A_137, %dma_start3A_138] : memref<16x16x2048xf32, #tpu.memory_space<vmem_shared>> -> memref<1x16x2048xf32, #tpu.memory_space<vmem_shared>>
    %dma_start3A_140 = tpu.memref_squeeze %dma_start3A_139 : memref<1x16x2048xf32, #tpu.memory_space<vmem_shared>> -> memref<16x2048xf32, #tpu.memory_space<vmem_shared>>
    tpu.enqueue_dma source(%dma_start3A_140 : memref<16x2048xf32, #tpu.memory_space<vmem_shared>>) target(%dma_start3A_136 : memref<16x2048xf32, #tpu.memory_space<hbm>>) target_semaphore(%arg11 : memref<!tpu.dma_semaphore, #tpu.memory_space<semaphore_mem>>)
    %dma_start3A_141 = arith.constant 3 : i32
    %dma_start3A_142 = arith.constant 0 : i32
    %dma_start3A_143 = tpu.memref_slice %arg3[%dma_start3A_141, %add3A_66, %dma_start3A_142] : memref<4x4096x2048xf32, #tpu.memory_space<hbm>> -> memref<1x16x2048xf32, #tpu.memory_space<hbm>>
    %dma_start3A_144 = tpu.memref_squeeze %dma_start3A_143 : memref<1x16x2048xf32, #tpu.memory_space<hbm>> -> memref<16x2048xf32, #tpu.memory_space<hbm>>
    %dma_start3A_145 = arith.constant 0 : i32
    %dma_start3A_146 = arith.constant 0 : i32
    %dma_start3A_147 = tpu.memref_slice %arg7[%arg1, %dma_start3A_145, %dma_start3A_146] : memref<16x16x2048xf32, #tpu.memory_space<vmem_shared>> -> memref<1x16x2048xf32, #tpu.memory_space<vmem_shared>>
    %dma_start3A_148 = tpu.memref_squeeze %dma_start3A_147 : memref<1x16x2048xf32, #tpu.memory_space<vmem_shared>> -> memref<16x2048xf32, #tpu.memory_space<vmem_shared>>
    tpu.enqueue_dma source(%dma_start3A_148 : memref<16x2048xf32, #tpu.memory_space<vmem_shared>>) target(%dma_start3A_144 : memref<16x2048xf32, #tpu.memory_space<hbm>>) target_semaphore(%arg11 : memref<!tpu.dma_semaphore, #tpu.memory_space<semaphore_mem>>)
    %add3A_149 = arith.constant 32 : i32
    %add3A_150 = arith.addi %mul3A_2, %add3A_149 : i32
    %add3A_151 = arith.constant 48 : i32
    %add3A_152 = arith.addi %mul3A_2, %add3A_151 : i32
    %dma_wait3A_153 = arith.constant 0 : i32
    %dma_wait3A_154 = arith.constant 0 : i32
    %dma_wait3A_155 = tpu.memref_slice %arg3[%dma_wait3A_153, %add3A_66, %dma_wait3A_154] : memref<4x4096x2048xf32, #tpu.memory_space<hbm>> -> memref<1x16x2048xf32, #tpu.memory_space<hbm>>
    %dma_wait3A_156 = tpu.memref_squeeze %dma_wait3A_155 : memref<1x16x2048xf32, #tpu.memory_space<hbm>> -> memref<16x2048xf32, #tpu.memory_space<hbm>>
    %dma_wait3A_157 = arith.constant 0 : i32
    %dma_wait3A_158 = tpu.memref_slice %arg3[%dma_wait3A_153, %add3A_66, %dma_wait3A_157] : memref<4x4096x2048xf32, #tpu.memory_space<hbm>> -> memref<1x16x2048xf32, #tpu.memory_space<hbm>>
    %dma_wait3A_159 = tpu.memref_squeeze %dma_wait3A_158 : memref<1x16x2048xf32, #tpu.memory_space<hbm>> -> memref<16x2048xf32, #tpu.memory_space<hbm>>
    tpu.wait_dma2 semaphore(%arg9 : memref<!tpu.dma_semaphore, #tpu.memory_space<semaphore_mem>>) src(%arg5 : memref<16x2048xf32, #tpu.memory_space<vmem>>) dst(%dma_wait3A_159 : memref<16x2048xf32, #tpu.memory_space<hbm>>)
    %dma_wait3A_160 = arith.constant 1 : i32
    %dma_wait3A_161 = arith.constant 0 : i32
    %dma_wait3A_162 = tpu.memref_slice %arg3[%dma_wait3A_160, %add3A_66, %dma_wait3A_161] : memref<4x4096x2048xf32, #tpu.memory_space<hbm>> -> memref<1x16x2048xf32, #tpu.memory_space<hbm>>
    %dma_wait3A_163 = tpu.memref_squeeze %dma_wait3A_162 : memref<1x16x2048xf32, #tpu.memory_space<hbm>> -> memref<16x2048xf32, #tpu.memory_space<hbm>>
    %dma_wait3A_164 = arith.constant 0 : i32
    %dma_wait3A_165 = tpu.memref_slice %arg3[%dma_wait3A_160, %add3A_66, %dma_wait3A_164] : memref<4x4096x2048xf32, #tpu.memory_space<hbm>> -> memref<1x16x2048xf32, #tpu.memory_space<hbm>>
    %dma_wait3A_166 = tpu.memref_squeeze %dma_wait3A_165 : memref<1x16x2048xf32, #tpu.memory_space<hbm>> -> memref<16x2048xf32, #tpu.memory_space<hbm>>
    tpu.wait_dma2 semaphore(%arg9 : memref<!tpu.dma_semaphore, #tpu.memory_space<semaphore_mem>>) src(%arg5 : memref<16x2048xf32, #tpu.memory_space<vmem>>) dst(%dma_wait3A_166 : memref<16x2048xf32, #tpu.memory_space<hbm>>)
    %dma_start3A_167 = arith.constant 0 : i32
    %dma_start3A_168 = tpu.memref_slice %arg2[%add3A_152, %dma_start3A_167] : memref<8192x2048xf32, #tpu.memory_space<hbm>> -> memref<16x2048xf32, #tpu.memory_space<hbm>>
    %dma_start3A_169 = arith.constant 0 : i32
    %dma_start3A_170 = tpu.memref_slice %arg2[%add3A_152, %dma_start3A_169] : memref<8192x2048xf32, #tpu.memory_space<hbm>> -> memref<16x2048xf32, #tpu.memory_space<hbm>>
    tpu.enqueue_dma source(%dma_start3A_170 : memref<16x2048xf32, #tpu.memory_space<hbm>>) target(%arg5 : memref<16x2048xf32, #tpu.memory_space<vmem>>) target_semaphore(%arg8 : memref<!tpu.dma_semaphore, #tpu.memory_space<semaphore_mem>>)
    %dma_wait3A_171 = arith.constant 2 : i32
    %dma_wait3A_172 = arith.constant 0 : i32
    %dma_wait3A_173 = tpu.memref_slice %arg3[%dma_wait3A_171, %add3A_66, %dma_wait3A_172] : memref<4x4096x2048xf32, #tpu.memory_space<hbm>> -> memref<1x16x2048xf32, #tpu.memory_space<hbm>>
    %dma_wait3A_174 = tpu.memref_squeeze %dma_wait3A_173 : memref<1x16x2048xf32, #tpu.memory_space<hbm>> -> memref<16x2048xf32, #tpu.memory_space<hbm>>
    %dma_wait3A_175 = arith.constant 0 : i32
    %dma_wait3A_176 = arith.constant 0 : i32
    %dma_wait3A_177 = tpu.memref_slice %arg7[%arg1, %dma_wait3A_175, %dma_wait3A_176] : memref<16x16x2048xf32, #tpu.memory_space<vmem_shared>> -> memref<1x16x2048xf32, #tpu.memory_space<vmem_shared>>
    %dma_wait3A_178 = tpu.memref_squeeze %dma_wait3A_177 : memref<1x16x2048xf32, #tpu.memory_space<vmem_shared>> -> memref<16x2048xf32, #tpu.memory_space<vmem_shared>>
    tpu.wait_dma2 semaphore(%arg11 : memref<!tpu.dma_semaphore, #tpu.memory_space<semaphore_mem>>) src(%dma_wait3A_178 : memref<16x2048xf32, #tpu.memory_space<vmem_shared>>) dst(%dma_wait3A_174 : memref<16x2048xf32, #tpu.memory_space<hbm>>)
    %dma_wait3A_179 = arith.constant 3 : i32
    %dma_wait3A_180 = arith.constant 0 : i32
    %dma_wait3A_181 = tpu.memref_slice %arg3[%dma_wait3A_179, %add3A_66, %dma_wait3A_180] : memref<4x4096x2048xf32, #tpu.memory_space<hbm>> -> memref<1x16x2048xf32, #tpu.memory_space<hbm>>
    %dma_wait3A_182 = tpu.memref_squeeze %dma_wait3A_181 : memref<1x16x2048xf32, #tpu.memory_space<hbm>> -> memref<16x2048xf32, #tpu.memory_space<hbm>>
    %dma_wait3A_183 = arith.constant 0 : i32
    %dma_wait3A_184 = arith.constant 0 : i32
    %dma_wait3A_185 = tpu.memref_slice %arg7[%arg1, %dma_wait3A_183, %dma_wait3A_184] : memref<16x16x2048xf32, #tpu.memory_space<vmem_shared>> -> memref<1x16x2048xf32, #tpu.memory_space<vmem_shared>>
    %dma_wait3A_186 = tpu.memref_squeeze %dma_wait3A_185 : memref<1x16x2048xf32, #tpu.memory_space<vmem_shared>> -> memref<16x2048xf32, #tpu.memory_space<vmem_shared>>
    tpu.wait_dma2 semaphore(%arg11 : memref<!tpu.dma_semaphore, #tpu.memory_space<semaphore_mem>>) src(%dma_wait3A_186 : memref<16x2048xf32, #tpu.memory_space<vmem_shared>>) dst(%dma_wait3A_182 : memref<16x2048xf32, #tpu.memory_space<hbm>>)
    %dma_start3A_187 = arith.constant 0 : i32
    %dma_start3A_188 = arith.constant 0 : i32
    %dma_start3A_189 = tpu.memref_slice %arg7[%arg1, %dma_start3A_187, %dma_start3A_188] : memref<16x16x2048xf32, #tpu.memory_space<vmem_shared>> -> memref<1x16x2048xf32, #tpu.memory_space<vmem_shared>>
    %dma_start3A_190 = tpu.memref_squeeze %dma_start3A_189 : memref<1x16x2048xf32, #tpu.memory_space<vmem_shared>> -> memref<16x2048xf32, #tpu.memory_space<vmem_shared>>
    %dma_start3A_191 = arith.constant 0 : i32
    %dma_start3A_192 = tpu.memref_slice %arg2[%add3A_152, %dma_start3A_191] : memref<8192x2048xf32, #tpu.memory_space<hbm>> -> memref<16x2048xf32, #tpu.memory_space<hbm>>
    tpu.enqueue_dma source(%dma_start3A_192 : memref<16x2048xf32, #tpu.memory_space<hbm>>) target(%dma_start3A_190 : memref<16x2048xf32, #tpu.memory_space<vmem_shared>>) target_semaphore(%arg10 : memref<!tpu.dma_semaphore, #tpu.memory_space<semaphore_mem>>)
    %dma_wait3A_193 = arith.constant 0 : i32
    %dma_wait3A_194 = tpu.memref_slice %arg2[%add3A_68, %dma_wait3A_193] : memref<8192x2048xf32, #tpu.memory_space<hbm>> -> memref<16x2048xf32, #tpu.memory_space<hbm>>
    %dma_wait3A_195 = arith.constant 0 : i32
    %dma_wait3A_196 = tpu.memref_slice %arg2[%add3A_68, %dma_wait3A_195] : memref<8192x2048xf32, #tpu.memory_space<hbm>> -> memref<16x2048xf32, #tpu.memory_space<hbm>>
    tpu.wait_dma2 semaphore(%arg8 : memref<!tpu.dma_semaphore, #tpu.memory_space<semaphore_mem>>) src(%dma_wait3A_196 : memref<16x2048xf32, #tpu.memory_space<hbm>>) dst(%arg4 : memref<16x2048xf32, #tpu.memory_space<vmem>>)
    %dma_start3A_197 = arith.constant 0 : i32
    %dma_start3A_198 = arith.constant 0 : i32
    %dma_start3A_199 = tpu.memref_slice %arg3[%dma_start3A_197, %add3A_150, %dma_start3A_198] : memref<4x4096x2048xf32, #tpu.memory_space<hbm>> -> memref<1x16x2048xf32, #tpu.memory_space<hbm>>
    %dma_start3A_200 = tpu.memref_squeeze %dma_start3A_199 : memref<1x16x2048xf32, #tpu.memory_space<hbm>> -> memref<16x2048xf32, #tpu.memory_space<hbm>>
    %dma_start3A_201 = arith.constant 0 : i32
    %dma_start3A_202 = tpu.memref_slice %arg3[%dma_start3A_197, %add3A_150, %dma_start3A_201] : memref<4x4096x2048xf32, #tpu.memory_space<hbm>> -> memref<1x16x2048xf32, #tpu.memory_space<hbm>>
    %dma_start3A_203 = tpu.memref_squeeze %dma_start3A_202 : memref<1x16x2048xf32, #tpu.memory_space<hbm>> -> memref<16x2048xf32, #tpu.memory_space<hbm>>
    tpu.enqueue_dma source(%arg4 : memref<16x2048xf32, #tpu.memory_space<vmem>>) target(%dma_start3A_203 : memref<16x2048xf32, #tpu.memory_space<hbm>>) target_semaphore(%arg9 : memref<!tpu.dma_semaphore, #tpu.memory_space<semaphore_mem>>)
    %dma_start3A_204 = arith.constant 1 : i32
    %dma_start3A_205 = arith.constant 0 : i32
    %dma_start3A_206 = tpu.memref_slice %arg3[%dma_start3A_204, %add3A_150, %dma_start3A_205] : memref<4x4096x2048xf32, #tpu.memory_space<hbm>> -> memref<1x16x2048xf32, #tpu.memory_space<hbm>>
    %dma_start3A_207 = tpu.memref_squeeze %dma_start3A_206 : memref<1x16x2048xf32, #tpu.memory_space<hbm>> -> memref<16x2048xf32, #tpu.memory_space<hbm>>
    %dma_start3A_208 = arith.constant 0 : i32
    %dma_start3A_209 = tpu.memref_slice %arg3[%dma_start3A_204, %add3A_150, %dma_start3A_208] : memref<4x4096x2048xf32, #tpu.memory_space<hbm>> -> memref<1x16x2048xf32, #tpu.memory_space<hbm>>
    %dma_start3A_210 = tpu.memref_squeeze %dma_start3A_209 : memref<1x16x2048xf32, #tpu.memory_space<hbm>> -> memref<16x2048xf32, #tpu.memory_space<hbm>>
    tpu.enqueue_dma source(%arg4 : memref<16x2048xf32, #tpu.memory_space<vmem>>) target(%dma_start3A_210 : memref<16x2048xf32, #tpu.memory_space<hbm>>) target_semaphore(%arg9 : memref<!tpu.dma_semaphore, #tpu.memory_space<semaphore_mem>>)
    %dma_wait3A_211 = arith.constant 0 : i32
    %dma_wait3A_212 = arith.constant 0 : i32
    %dma_wait3A_213 = tpu.memref_slice %arg6[%arg1, %dma_wait3A_211, %dma_wait3A_212] : memref<16x16x2048xf32, #tpu.memory_space<vmem_shared>> -> memref<1x16x2048xf32, #tpu.memory_space<vmem_shared>>
    %dma_wait3A_214 = tpu.memref_squeeze %dma_wait3A_213 : memref<1x16x2048xf32, #tpu.memory_space<vmem_shared>> -> memref<16x2048xf32, #tpu.memory_space<vmem_shared>>
    %dma_wait3A_215 = arith.constant 0 : i32
    %dma_wait3A_216 = tpu.memref_slice %arg2[%add3A_68, %dma_wait3A_215] : memref<8192x2048xf32, #tpu.memory_space<hbm>> -> memref<16x2048xf32, #tpu.memory_space<hbm>>
    tpu.wait_dma2 semaphore(%arg10 : memref<!tpu.dma_semaphore, #tpu.memory_space<semaphore_mem>>) src(%dma_wait3A_216 : memref<16x2048xf32, #tpu.memory_space<hbm>>) dst(%dma_wait3A_214 : memref<16x2048xf32, #tpu.memory_space<vmem_shared>>)
    %dma_start3A_217 = arith.constant 2 : i32
    %dma_start3A_218 = arith.constant 0 : i32
    %dma_start3A_219 = tpu.memref_slice %arg3[%dma_start3A_217, %add3A_150, %dma_start3A_218] : memref<4x4096x2048xf32, #tpu.memory_space<hbm>> -> memref<1x16x2048xf32, #tpu.memory_space<hbm>>
    %dma_start3A_220 = tpu.memref_squeeze %dma_start3A_219 : memref<1x16x2048xf32, #tpu.memory_space<hbm>> -> memref<16x2048xf32, #tpu.memory_space<hbm>>
    %dma_start3A_221 = arith.constant 0 : i32
    %dma_start3A_222 = arith.constant 0 : i32
    %dma_start3A_223 = tpu.memref_slice %arg6[%arg1, %dma_start3A_221, %dma_start3A_222] : memref<16x16x2048xf32, #tpu.memory_space<vmem_shared>> -> memref<1x16x2048xf32, #tpu.memory_space<vmem_shared>>
    %dma_start3A_224 = tpu.memref_squeeze %dma_start3A_223 : memref<1x16x2048xf32, #tpu.memory_space<vmem_shared>> -> memref<16x2048xf32, #tpu.memory_space<vmem_shared>>
    tpu.enqueue_dma source(%dma_start3A_224 : memref<16x2048xf32, #tpu.memory_space<vmem_shared>>) target(%dma_start3A_220 : memref<16x2048xf32, #tpu.memory_space<hbm>>) target_semaphore(%arg11 : memref<!tpu.dma_semaphore, #tpu.memory_space<semaphore_mem>>)
    %dma_start3A_225 = arith.constant 3 : i32
    %dma_start3A_226 = arith.constant 0 : i32
    %dma_start3A_227 = tpu.memref_slice %arg3[%dma_start3A_225, %add3A_150, %dma_start3A_226] : memref<4x4096x2048xf32, #tpu.memory_space<hbm>> -> memref<1x16x2048xf32, #tpu.memory_space<hbm>>
    %dma_start3A_228 = tpu.memref_squeeze %dma_start3A_227 : memref<1x16x2048xf32, #tpu.memory_space<hbm>> -> memref<16x2048xf32, #tpu.memory_space<hbm>>
    %dma_start3A_229 = arith.constant 0 : i32
    %dma_start3A_230 = arith.constant 0 : i32
    %dma_start3A_231 = tpu.memref_slice %arg6[%arg1, %dma_start3A_229, %dma_start3A_230] : memref<16x16x2048xf32, #tpu.memory_space<vmem_shared>> -> memref<1x16x2048xf32, #tpu.memory_space<vmem_shared>>
    %dma_start3A_232 = tpu.memref_squeeze %dma_start3A_231 : memref<1x16x2048xf32, #tpu.memory_space<vmem_shared>> -> memref<16x2048xf32, #tpu.memory_space<vmem_shared>>
    tpu.enqueue_dma source(%dma_start3A_232 : memref<16x2048xf32, #tpu.memory_space<vmem_shared>>) target(%dma_start3A_228 : memref<16x2048xf32, #tpu.memory_space<hbm>>) target_semaphore(%arg11 : memref<!tpu.dma_semaphore, #tpu.memory_space<semaphore_mem>>)
    %add3A_233 = arith.constant 48 : i32
    %add3A_234 = arith.addi %mul3A_2, %add3A_233 : i32
    %add3A_235 = arith.constant 64 : i32
    %add3A_236 = arith.addi %mul3A_2, %add3A_235 : i32
    %dma_wait3A_237 = arith.constant 0 : i32
    %dma_wait3A_238 = arith.constant 0 : i32
    %dma_wait3A_239 = tpu.memref_slice %arg3[%dma_wait3A_237, %add3A_150, %dma_wait3A_238] : memref<4x4096x2048xf32, #tpu.memory_space<hbm>> -> memref<1x16x2048xf32, #tpu.memory_space<hbm>>
    %dma_wait3A_240 = tpu.memref_squeeze %dma_wait3A_239 : memref<1x16x2048xf32, #tpu.memory_space<hbm>> -> memref<16x2048xf32, #tpu.memory_space<hbm>>
    %dma_wait3A_241 = arith.constant 0 : i32
    %dma_wait3A_242 = tpu.memref_slice %arg3[%dma_wait3A_237, %add3A_150, %dma_wait3A_241] : memref<4x4096x2048xf32, #tpu.memory_space<hbm>> -> memref<1x16x2048xf32, #tpu.memory_space<hbm>>
    %dma_wait3A_243 = tpu.memref_squeeze %dma_wait3A_242 : memref<1x16x2048xf32, #tpu.memory_space<hbm>> -> memref<16x2048xf32, #tpu.memory_space<hbm>>
    tpu.wait_dma2 semaphore(%arg9 : memref<!tpu.dma_semaphore, #tpu.memory_space<semaphore_mem>>) src(%arg4 : memref<16x2048xf32, #tpu.memory_space<vmem>>) dst(%dma_wait3A_243 : memref<16x2048xf32, #tpu.memory_space<hbm>>)
    %dma_wait3A_244 = arith.constant 1 : i32
    %dma_wait3A_245 = arith.constant 0 : i32
    %dma_wait3A_246 = tpu.memref_slice %arg3[%dma_wait3A_244, %add3A_150, %dma_wait3A_245] : memref<4x4096x2048xf32, #tpu.memory_space<hbm>> -> memref<1x16x2048xf32, #tpu.memory_space<hbm>>
    %dma_wait3A_247 = tpu.memref_squeeze %dma_wait3A_246 : memref<1x16x2048xf32, #tpu.memory_space<hbm>> -> memref<16x2048xf32, #tpu.memory_space<hbm>>
    %dma_wait3A_248 = arith.constant 0 : i32
    %dma_wait3A_249 = tpu.memref_slice %arg3[%dma_wait3A_244, %add3A_150, %dma_wait3A_248] : memref<4x4096x2048xf32, #tpu.memory_space<hbm>> -> memref<1x16x2048xf32, #tpu.memory_space<hbm>>
    %dma_wait3A_250 = tpu.memref_squeeze %dma_wait3A_249 : memref<1x16x2048xf32, #tpu.memory_space<hbm>> -> memref<16x2048xf32, #tpu.memory_space<hbm>>
    tpu.wait_dma2 semaphore(%arg9 : memref<!tpu.dma_semaphore, #tpu.memory_space<semaphore_mem>>) src(%arg4 : memref<16x2048xf32, #tpu.memory_space<vmem>>) dst(%dma_wait3A_250 : memref<16x2048xf32, #tpu.memory_space<hbm>>)
    %dma_start3A_251 = arith.constant 0 : i32
    %dma_start3A_252 = tpu.memref_slice %arg2[%add3A_236, %dma_start3A_251] : memref<8192x2048xf32, #tpu.memory_space<hbm>> -> memref<16x2048xf32, #tpu.memory_space<hbm>>
    %dma_start3A_253 = arith.constant 0 : i32
    %dma_start3A_254 = tpu.memref_slice %arg2[%add3A_236, %dma_start3A_253] : memref<8192x2048xf32, #tpu.memory_space<hbm>> -> memref<16x2048xf32, #tpu.memory_space<hbm>>
    tpu.enqueue_dma source(%dma_start3A_254 : memref<16x2048xf32, #tpu.memory_space<hbm>>) target(%arg4 : memref<16x2048xf32, #tpu.memory_space<vmem>>) target_semaphore(%arg8 : memref<!tpu.dma_semaphore, #tpu.memory_space<semaphore_mem>>)
    %dma_wait3A_255 = arith.constant 2 : i32
    %dma_wait3A_256 = arith.constant 0 : i32
    %dma_wait3A_257 = tpu.memref_slice %arg3[%dma_wait3A_255, %add3A_150, %dma_wait3A_256] : memref<4x4096x2048xf32, #tpu.memory_space<hbm>> -> memref<1x16x2048xf32, #tpu.memory_space<hbm>>
    %dma_wait3A_258 = tpu.memref_squeeze %dma_wait3A_257 : memref<1x16x2048xf32, #tpu.memory_space<hbm>> -> memref<16x2048xf32, #tpu.memory_space<hbm>>
    %dma_wait3A_259 = arith.constant 0 : i32
    %dma_wait3A_260 = arith.constant 0 : i32
    %dma_wait3A_261 = tpu.memref_slice %arg6[%arg1, %dma_wait3A_259, %dma_wait3A_260] : memref<16x16x2048xf32, #tpu.memory_space<vmem_shared>> -> memref<1x16x2048xf32, #tpu.memory_space<vmem_shared>>
    %dma_wait3A_262 = tpu.memref_squeeze %dma_wait3A_261 : memref<1x16x2048xf32, #tpu.memory_space<vmem_shared>> -> memref<16x2048xf32, #tpu.memory_space<vmem_shared>>
    tpu.wait_dma2 semaphore(%arg11 : memref<!tpu.dma_semaphore, #tpu.memory_space<semaphore_mem>>) src(%dma_wait3A_262 : memref<16x2048xf32, #tpu.memory_space<vmem_shared>>) dst(%dma_wait3A_258 : memref<16x2048xf32, #tpu.memory_space<hbm>>)
    %dma_wait3A_263 = arith.constant 3 : i32
    %dma_wait3A_264 = arith.constant 0 : i32
    %dma_wait3A_265 = tpu.memref_slice %arg3[%dma_wait3A_263, %add3A_150, %dma_wait3A_264] : memref<4x4096x2048xf32, #tpu.memory_space<hbm>> -> memref<1x16x2048xf32, #tpu.memory_space<hbm>>
    %dma_wait3A_266 = tpu.memref_squeeze %dma_wait3A_265 : memref<1x16x2048xf32, #tpu.memory_space<hbm>> -> memref<16x2048xf32, #tpu.memory_space<hbm>>
    %dma_wait3A_267 = arith.constant 0 : i32
    %dma_wait3A_268 = arith.constant 0 : i32
    %dma_wait3A_269 = tpu.memref_slice %arg6[%arg1, %dma_wait3A_267, %dma_wait3A_268] : memref<16x16x2048xf32, #tpu.memory_space<vmem_shared>> -> memref<1x16x2048xf32, #tpu.memory_space<vmem_shared>>
    %dma_wait3A_270 = tpu.memref_squeeze %dma_wait3A_269 : memref<1x16x2048xf32, #tpu.memory_space<vmem_shared>> -> memref<16x2048xf32, #tpu.memory_space<vmem_shared>>
    tpu.wait_dma2 semaphore(%arg11 : memref<!tpu.dma_semaphore, #tpu.memory_space<semaphore_mem>>) src(%dma_wait3A_270 : memref<16x2048xf32, #tpu.memory_space<vmem_shared>>) dst(%dma_wait3A_266 : memref<16x2048xf32, #tpu.memory_space<hbm>>)
    %dma_start3A_271 = arith.constant 0 : i32
    %dma_start3A_272 = arith.constant 0 : i32
    %dma_start3A_273 = tpu.memref_slice %arg6[%arg1, %dma_start3A_271, %dma_start3A_272] : memref<16x16x2048xf32, #tpu.memory_space<vmem_shared>> -> memref<1x16x2048xf32, #tpu.memory_space<vmem_shared>>
    %dma_start3A_274 = tpu.memref_squeeze %dma_start3A_273 : memref<1x16x2048xf32, #tpu.memory_space<vmem_shared>> -> memref<16x2048xf32, #tpu.memory_space<vmem_shared>>
    %dma_start3A_275 = arith.constant 0 : i32
    %dma_start3A_276 = tpu.memref_slice %arg2[%add3A_236, %dma_start3A_275] : memref<8192x2048xf32, #tpu.memory_space<hbm>> -> memref<16x2048xf32, #tpu.memory_space<hbm>>
    tpu.enqueue_dma source(%dma_start3A_276 : memref<16x2048xf32, #tpu.memory_space<hbm>>) target(%dma_start3A_274 : memref<16x2048xf32, #tpu.memory_space<vmem_shared>>) target_semaphore(%arg10 : memref<!tpu.dma_semaphore, #tpu.memory_space<semaphore_mem>>)
    %dma_wait3A_277 = arith.constant 0 : i32
    %dma_wait3A_278 = tpu.memref_slice %arg2[%add3A_152, %dma_wait3A_277] : memref<8192x2048xf32, #tpu.memory_space<hbm>> -> memref<16x2048xf32, #tpu.memory_space<hbm>>
    %dma_wait3A_279 = arith.constant 0 : i32
    %dma_wait3A_280 = tpu.memref_slice %arg2[%add3A_152, %dma_wait3A_279] : memref<8192x2048xf32, #tpu.memory_space<hbm>> -> memref<16x2048xf32, #tpu.memory_space<hbm>>
    tpu.wait_dma2 semaphore(%arg8 : memref<!tpu.dma_semaphore, #tpu.memory_space<semaphore_mem>>) src(%dma_wait3A_280 : memref<16x2048xf32, #tpu.memory_space<hbm>>) dst(%arg5 : memref<16x2048xf32, #tpu.memory_space<vmem>>)
    %dma_start3A_281 = arith.constant 0 : i32
    %dma_start3A_282 = arith.constant 0 : i32
    %dma_start3A_283 = tpu.memref_slice %arg3[%dma_start3A_281, %add3A_234, %dma_start3A_282] : memref<4x4096x2048xf32, #tpu.memory_space<hbm>> -> memref<1x16x2048xf32, #tpu.memory_space<hbm>>
    %dma_start3A_284 = tpu.memref_squeeze %dma_start3A_283 : memref<1x16x2048xf32, #tpu.memory_space<hbm>> -> memref<16x2048xf32, #tpu.memory_space<hbm>>
    %dma_start3A_285 = arith.constant 0 : i32
    %dma_start3A_286 = tpu.memref_slice %arg3[%dma_start3A_281, %add3A_234, %dma_start3A_285] : memref<4x4096x2048xf32, #tpu.memory_space<hbm>> -> memref<1x16x2048xf32, #tpu.memory_space<hbm>>
    %dma_start3A_287 = tpu.memref_squeeze %dma_start3A_286 : memref<1x16x2048xf32, #tpu.memory_space<hbm>> -> memref<16x2048xf32, #tpu.memory_space<hbm>>
    tpu.enqueue_dma source(%arg5 : memref<16x2048xf32, #tpu.memory_space<vmem>>) target(%dma_start3A_287 : memref<16x2048xf32, #tpu.memory_space<hbm>>) target_semaphore(%arg9 : memref<!tpu.dma_semaphore, #tpu.memory_space<semaphore_mem>>)
    %dma_start3A_288 = arith.constant 1 : i32
    %dma_start3A_289 = arith.constant 0 : i32
    %dma_start3A_290 = tpu.memref_slice %arg3[%dma_start3A_288, %add3A_234, %dma_start3A_289] : memref<4x4096x2048xf32, #tpu.memory_space<hbm>> -> memref<1x16x2048xf32, #tpu.memory_space<hbm>>
    %dma_start3A_291 = tpu.memref_squeeze %dma_start3A_290 : memref<1x16x2048xf32, #tpu.memory_space<hbm>> -> memref<16x2048xf32, #tpu.memory_space<hbm>>
    %dma_start3A_292 = arith.constant 0 : i32
    %dma_start3A_293 = tpu.memref_slice %arg3[%dma_start3A_288, %add3A_234, %dma_start3A_292] : memref<4x4096x2048xf32, #tpu.memory_space<hbm>> -> memref<1x16x2048xf32, #tpu.memory_space<hbm>>
    %dma_start3A_294 = tpu.memref_squeeze %dma_start3A_293 : memref<1x16x2048xf32, #tpu.memory_space<hbm>> -> memref<16x2048xf32, #tpu.memory_space<hbm>>
    tpu.enqueue_dma source(%arg5 : memref<16x2048xf32, #tpu.memory_space<vmem>>) target(%dma_start3A_294 : memref<16x2048xf32, #tpu.memory_space<hbm>>) target_semaphore(%arg9 : memref<!tpu.dma_semaphore, #tpu.memory_space<semaphore_mem>>)
    %dma_wait3A_295 = arith.constant 0 : i32
    %dma_wait3A_296 = arith.constant 0 : i32
    %dma_wait3A_297 = tpu.memref_slice %arg7[%arg1, %dma_wait3A_295, %dma_wait3A_296] : memref<16x16x2048xf32, #tpu.memory_space<vmem_shared>> -> memref<1x16x2048xf32, #tpu.memory_space<vmem_shared>>
    %dma_wait3A_298 = tpu.memref_squeeze %dma_wait3A_297 : memref<1x16x2048xf32, #tpu.memory_space<vmem_shared>> -> memref<16x2048xf32, #tpu.memory_space<vmem_shared>>
    %dma_wait3A_299 = arith.constant 0 : i32
    %dma_wait3A_300 = tpu.memref_slice %arg2[%add3A_152, %dma_wait3A_299] : memref<8192x2048xf32, #tpu.memory_space<hbm>> -> memref<16x2048xf32, #tpu.memory_space<hbm>>
    tpu.wait_dma2 semaphore(%arg10 : memref<!tpu.dma_semaphore, #tpu.memory_space<semaphore_mem>>) src(%dma_wait3A_300 : memref<16x2048xf32, #tpu.memory_space<hbm>>) dst(%dma_wait3A_298 : memref<16x2048xf32, #tpu.memory_space<vmem_shared>>)
    %dma_start3A_301 = arith.constant 2 : i32
    %dma_start3A_302 = arith.constant 0 : i32
    %dma_start3A_303 = tpu.memref_slice %arg3[%dma_start3A_301, %add3A_234, %dma_start3A_302] : memref<4x4096x2048xf32, #tpu.memory_space<hbm>> -> memref<1x16x2048xf32, #tpu.memory_space<hbm>>
    %dma_start3A_304 = tpu.memref_squeeze %dma_start3A_303 : memref<1x16x2048xf32, #tpu.memory_space<hbm>> -> memref<16x2048xf32, #tpu.memory_space<hbm>>
    %dma_start3A_305 = arith.constant 0 : i32
    %dma_start3A_306 = arith.constant 0 : i32
    %dma_start3A_307 = tpu.memref_slice %arg7[%arg1, %dma_start3A_305, %dma_start3A_306] : memref<16x16x2048xf32, #tpu.memory_space<vmem_shared>> -> memref<1x16x2048xf32, #tpu.memory_space<vmem_shared>>
    %dma_start3A_308 = tpu.memref_squeeze %dma_start3A_307 : memref<1x16x2048xf32, #tpu.memory_space<vmem_shared>> -> memref<16x2048xf32, #tpu.memory_space<vmem_shared>>
    tpu.enqueue_dma source(%dma_start3A_308 : memref<16x2048xf32, #tpu.memory_space<vmem_shared>>) target(%dma_start3A_304 : memref<16x2048xf32, #tpu.memory_space<hbm>>) target_semaphore(%arg11 : memref<!tpu.dma_semaphore, #tpu.memory_space<semaphore_mem>>)
    %dma_start3A_309 = arith.constant 3 : i32
    %dma_start3A_310 = arith.constant 0 : i32
    %dma_start3A_311 = tpu.memref_slice %arg3[%dma_start3A_309, %add3A_234, %dma_start3A_310] : memref<4x4096x2048xf32, #tpu.memory_space<hbm>> -> memref<1x16x2048xf32, #tpu.memory_space<hbm>>
    %dma_start3A_312 = tpu.memref_squeeze %dma_start3A_311 : memref<1x16x2048xf32, #tpu.memory_space<hbm>> -> memref<16x2048xf32, #tpu.memory_space<hbm>>
    %dma_start3A_313 = arith.constant 0 : i32
    %dma_start3A_314 = arith.constant 0 : i32
    %dma_start3A_315 = tpu.memref_slice %arg7[%arg1, %dma_start3A_313, %dma_start3A_314] : memref<16x16x2048xf32, #tpu.memory_space<vmem_shared>> -> memref<1x16x2048xf32, #tpu.memory_space<vmem_shared>>
    %dma_start3A_316 = tpu.memref_squeeze %dma_start3A_315 : memref<1x16x2048xf32, #tpu.memory_space<vmem_shared>> -> memref<16x2048xf32, #tpu.memory_space<vmem_shared>>
    tpu.enqueue_dma source(%dma_start3A_316 : memref<16x2048xf32, #tpu.memory_space<vmem_shared>>) target(%dma_start3A_312 : memref<16x2048xf32, #tpu.memory_space<hbm>>) target_semaphore(%arg11 : memref<!tpu.dma_semaphore, #tpu.memory_space<semaphore_mem>>)
    %add3A_317 = arith.constant 64 : i32
    %add3A_318 = arith.addi %mul3A_2, %add3A_317 : i32
    %add3A_319 = arith.constant 80 : i32
    %add3A_320 = arith.addi %mul3A_2, %add3A_319 : i32
    %dma_wait3A_321 = arith.constant 0 : i32
    %dma_wait3A_322 = arith.constant 0 : i32
    %dma_wait3A_323 = tpu.memref_slice %arg3[%dma_wait3A_321, %add3A_234, %dma_wait3A_322] : memref<4x4096x2048xf32, #tpu.memory_space<hbm>> -> memref<1x16x2048xf32, #tpu.memory_space<hbm>>
    %dma_wait3A_324 = tpu.memref_squeeze %dma_wait3A_323 : memref<1x16x2048xf32, #tpu.memory_space<hbm>> -> memref<16x2048xf32, #tpu.memory_space<hbm>>
    %dma_wait3A_325 = arith.constant 0 : i32
    %dma_wait3A_326 = tpu.memref_slice %arg3[%dma_wait3A_321, %add3A_234, %dma_wait3A_325] : memref<4x4096x2048xf32, #tpu.memory_space<hbm>> -> memref<1x16x2048xf32, #tpu.memory_space<hbm>>
    %dma_wait3A_327 = tpu.memref_squeeze %dma_wait3A_326 : memref<1x16x2048xf32, #tpu.memory_space<hbm>> -> memref<16x2048xf32, #tpu.memory_space<hbm>>
    tpu.wait_dma2 semaphore(%arg9 : memref<!tpu.dma_semaphore, #tpu.memory_space<semaphore_mem>>) src(%arg5 : memref<16x2048xf32, #tpu.memory_space<vmem>>) dst(%dma_wait3A_327 : memref<16x2048xf32, #tpu.memory_space<hbm>>)
    %dma_wait3A_328 = arith.constant 1 : i32
    %dma_wait3A_329 = arith.constant 0 : i32
    %dma_wait3A_330 = tpu.memref_slice %arg3[%dma_wait3A_328, %add3A_234, %dma_wait3A_329] : memref<4x4096x2048xf32, #tpu.memory_space<hbm>> -> memref<1x16x2048xf32, #tpu.memory_space<hbm>>
    %dma_wait3A_331 = tpu.memref_squeeze %dma_wait3A_330 : memref<1x16x2048xf32, #tpu.memory_space<hbm>> -> memref<16x2048xf32, #tpu.memory_space<hbm>>
    %dma_wait3A_332 = arith.constant 0 : i32
    %dma_wait3A_333 = tpu.memref_slice %arg3[%dma_wait3A_328, %add3A_234, %dma_wait3A_332] : memref<4x4096x2048xf32, #tpu.memory_space<hbm>> -> memref<1x16x2048xf32, #tpu.memory_space<hbm>>
    %dma_wait3A_334 = tpu.memref_squeeze %dma_wait3A_333 : memref<1x16x2048xf32, #tpu.memory_space<hbm>> -> memref<16x2048xf32, #tpu.memory_space<hbm>>
    tpu.wait_dma2 semaphore(%arg9 : memref<!tpu.dma_semaphore, #tpu.memory_space<semaphore_mem>>) src(%arg5 : memref<16x2048xf32, #tpu.memory_space<vmem>>) dst(%dma_wait3A_334 : memref<16x2048xf32, #tpu.memory_space<hbm>>)
    %dma_start3A_335 = arith.constant 0 : i32
    %dma_start3A_336 = tpu.memref_slice %arg2[%add3A_320, %dma_start3A_335] : memref<8192x2048xf32, #tpu.memory_space<hbm>> -> memref<16x2048xf32, #tpu.memory_space<hbm>>
    %dma_start3A_337 = arith.constant 0 : i32
    %dma_start3A_338 = tpu.memref_slice %arg2[%add3A_320, %dma_start3A_337] : memref<8192x2048xf32, #tpu.memory_space<hbm>> -> memref<16x2048xf32, #tpu.memory_space<hbm>>
    tpu.enqueue_dma source(%dma_start3A_338 : memref<16x2048xf32, #tpu.memory_space<hbm>>) target(%arg5 : memref<16x2048xf32, #tpu.memory_space<vmem>>) target_semaphore(%arg8 : memref<!tpu.dma_semaphore, #tpu.memory_space<semaphore_mem>>)
    %dma_wait3A_339 = arith.constant 2 : i32
    %dma_wait3A_340 = arith.constant 0 : i32
    %dma_wait3A_341 = tpu.memref_slice %arg3[%dma_wait3A_339, %add3A_234, %dma_wait3A_340] : memref<4x4096x2048xf32, #tpu.memory_space<hbm>> -> memref<1x16x2048xf32, #tpu.memory_space<hbm>>
    %dma_wait3A_342 = tpu.memref_squeeze %dma_wait3A_341 : memref<1x16x2048xf32, #tpu.memory_space<hbm>> -> memref<16x2048xf32, #tpu.memory_space<hbm>>
    %dma_wait3A_343 = arith.constant 0 : i32
    %dma_wait3A_344 = arith.constant 0 : i32
    %dma_wait3A_345 = tpu.memref_slice %arg7[%arg1, %dma_wait3A_343, %dma_wait3A_344] : memref<16x16x2048xf32, #tpu.memory_space<vmem_shared>> -> memref<1x16x2048xf32, #tpu.memory_space<vmem_shared>>
    %dma_wait3A_346 = tpu.memref_squeeze %dma_wait3A_345 : memref<1x16x2048xf32, #tpu.memory_space<vmem_shared>> -> memref<16x2048xf32, #tpu.memory_space<vmem_shared>>
    tpu.wait_dma2 semaphore(%arg11 : memref<!tpu.dma_semaphore, #tpu.memory_space<semaphore_mem>>) src(%dma_wait3A_346 : memref<16x2048xf32, #tpu.memory_space<vmem_shared>>) dst(%dma_wait3A_342 : memref<16x2048xf32, #tpu.memory_space<hbm>>)
    %dma_wait3A_347 = arith.constant 3 : i32
    %dma_wait3A_348 = arith.constant 0 : i32
    %dma_wait3A_349 = tpu.memref_slice %arg3[%dma_wait3A_347, %add3A_234, %dma_wait3A_348] : memref<4x4096x2048xf32, #tpu.memory_space<hbm>> -> memref<1x16x2048xf32, #tpu.memory_space<hbm>>
    %dma_wait3A_350 = tpu.memref_squeeze %dma_wait3A_349 : memref<1x16x2048xf32, #tpu.memory_space<hbm>> -> memref<16x2048xf32, #tpu.memory_space<hbm>>
    %dma_wait3A_351 = arith.constant 0 : i32
    %dma_wait3A_352 = arith.constant 0 : i32
    %dma_wait3A_353 = tpu.memref_slice %arg7[%arg1, %dma_wait3A_351, %dma_wait3A_352] : memref<16x16x2048xf32, #tpu.memory_space<vmem_shared>> -> memref<1x16x2048xf32, #tpu.memory_space<vmem_shared>>
    %dma_wait3A_354 = tpu.memref_squeeze %dma_wait3A_353 : memref<1x16x2048xf32, #tpu.memory_space<vmem_shared>> -> memref<16x2048xf32, #tpu.memory_space<vmem_shared>>
    tpu.wait_dma2 semaphore(%arg11 : memref<!tpu.dma_semaphore, #tpu.memory_space<semaphore_mem>>) src(%dma_wait3A_354 : memref<16x2048xf32, #tpu.memory_space<vmem_shared>>) dst(%dma_wait3A_350 : memref<16x2048xf32, #tpu.memory_space<hbm>>)
    %dma_start3A_355 = arith.constant 0 : i32
    %dma_start3A_356 = arith.constant 0 : i32
    %dma_start3A_357 = tpu.memref_slice %arg7[%arg1, %dma_start3A_355, %dma_start3A_356] : memref<16x16x2048xf32, #tpu.memory_space<vmem_shared>> -> memref<1x16x2048xf32, #tpu.memory_space<vmem_shared>>
    %dma_start3A_358 = tpu.memref_squeeze %dma_start3A_357 : memref<1x16x2048xf32, #tpu.memory_space<vmem_shared>> -> memref<16x2048xf32, #tpu.memory_space<vmem_shared>>
    %dma_start3A_359 = arith.constant 0 : i32
    %dma_start3A_360 = tpu.memref_slice %arg2[%add3A_320, %dma_start3A_359] : memref<8192x2048xf32, #tpu.memory_space<hbm>> -> memref<16x2048xf32, #tpu.memory_space<hbm>>
    tpu.enqueue_dma source(%dma_start3A_360 : memref<16x2048xf32, #tpu.memory_space<hbm>>) target(%dma_start3A_358 : memref<16x2048xf32, #tpu.memory_space<vmem_shared>>) target_semaphore(%arg10 : memref<!tpu.dma_semaphore, #tpu.memory_space<semaphore_mem>>)
    %dma_wait3A_361 = arith.constant 0 : i32
    %dma_wait3A_362 = tpu.memref_slice %arg2[%add3A_236, %dma_wait3A_361] : memref<8192x2048xf32, #tpu.memory_space<hbm>> -> memref<16x2048xf32, #tpu.memory_space<hbm>>
    %dma_wait3A_363 = arith.constant 0 : i32
    %dma_wait3A_364 = tpu.memref_slice %arg2[%add3A_236, %dma_wait3A_363] : memref<8192x2048xf32, #tpu.memory_space<hbm>> -> memref<16x2048xf32, #tpu.memory_space<hbm>>
    tpu.wait_dma2 semaphore(%arg8 : memref<!tpu.dma_semaphore, #tpu.memory_space<semaphore_mem>>) src(%dma_wait3A_364 : memref<16x2048xf32, #tpu.memory_space<hbm>>) dst(%arg4 : memref<16x2048xf32, #tpu.memory_space<vmem>>)
    %dma_start3A_365 = arith.constant 0 : i32
    %dma_start3A_366 = arith.constant 0 : i32
    %dma_start3A_367 = tpu.memref_slice %arg3[%dma_start3A_365, %add3A_318, %dma_start3A_366] : memref<4x4096x2048xf32, #tpu.memory_space<hbm>> -> memref<1x16x2048xf32, #tpu.memory_space<hbm>>
    %dma_start3A_368 = tpu.memref_squeeze %dma_start3A_367 : memref<1x16x2048xf32, #tpu.memory_space<hbm>> -> memref<16x2048xf32, #tpu.memory_space<hbm>>
    %dma_start3A_369 = arith.constant 0 : i32
    %dma_start3A_370 = tpu.memref_slice %arg3[%dma_start3A_365, %add3A_318, %dma_start3A_369] : memref<4x4096x2048xf32, #tpu.memory_space<hbm>> -> memref<1x16x2048xf32, #tpu.memory_space<hbm>>
    %dma_start3A_371 = tpu.memref_squeeze %dma_start3A_370 : memref<1x16x2048xf32, #tpu.memory_space<hbm>> -> memref<16x2048xf32, #tpu.memory_space<hbm>>
    tpu.enqueue_dma source(%arg4 : memref<16x2048xf32, #tpu.memory_space<vmem>>) target(%dma_start3A_371 : memref<16x2048xf32, #tpu.memory_space<hbm>>) target_semaphore(%arg9 : memref<!tpu.dma_semaphore, #tpu.memory_space<semaphore_mem>>)
    %dma_start3A_372 = arith.constant 1 : i32
    %dma_start3A_373 = arith.constant 0 : i32
    %dma_start3A_374 = tpu.memref_slice %arg3[%dma_start3A_372, %add3A_318, %dma_start3A_373] : memref<4x4096x2048xf32, #tpu.memory_space<hbm>> -> memref<1x16x2048xf32, #tpu.memory_space<hbm>>
    %dma_start3A_375 = tpu.memref_squeeze %dma_start3A_374 : memref<1x16x2048xf32, #tpu.memory_space<hbm>> -> memref<16x2048xf32, #tpu.memory_space<hbm>>
    %dma_start3A_376 = arith.constant 0 : i32
    %dma_start3A_377 = tpu.memref_slice %arg3[%dma_start3A_372, %add3A_318, %dma_start3A_376] : memref<4x4096x2048xf32, #tpu.memory_space<hbm>> -> memref<1x16x2048xf32, #tpu.memory_space<hbm>>
    %dma_start3A_378 = tpu.memref_squeeze %dma_start3A_377 : memref<1x16x2048xf32, #tpu.memory_space<hbm>> -> memref<16x2048xf32, #tpu.memory_space<hbm>>
    tpu.enqueue_dma source(%arg4 : memref<16x2048xf32, #tpu.memory_space<vmem>>) target(%dma_start3A_378 : memref<16x2048xf32, #tpu.memory_space<hbm>>) target_semaphore(%arg9 : memref<!tpu.dma_semaphore, #tpu.memory_space<semaphore_mem>>)
    %dma_wait3A_379 = arith.constant 0 : i32
    %dma_wait3A_380 = arith.constant 0 : i32
    %dma_wait3A_381 = tpu.memref_slice %arg6[%arg1, %dma_wait3A_379, %dma_wait3A_380] : memref<16x16x2048xf32, #tpu.memory_space<vmem_shared>> -> memref<1x16x2048xf32, #tpu.memory_space<vmem_shared>>
    %dma_wait3A_382 = tpu.memref_squeeze %dma_wait3A_381 : memref<1x16x2048xf32, #tpu.memory_space<vmem_shared>> -> memref<16x2048xf32, #tpu.memory_space<vmem_shared>>
    %dma_wait3A_383 = arith.constant 0 : i32
    %dma_wait3A_384 = tpu.memref_slice %arg2[%add3A_236, %dma_wait3A_383] : memref<8192x2048xf32, #tpu.memory_space<hbm>> -> memref<16x2048xf32, #tpu.memory_space<hbm>>
    tpu.wait_dma2 semaphore(%arg10 : memref<!tpu.dma_semaphore, #tpu.memory_space<semaphore_mem>>) src(%dma_wait3A_384 : memref<16x2048xf32, #tpu.memory_space<hbm>>) dst(%dma_wait3A_382 : memref<16x2048xf32, #tpu.memory_space<vmem_shared>>)
    %dma_start3A_385 = arith.constant 2 : i32
    %dma_start3A_386 = arith.constant 0 : i32
    %dma_start3A_387 = tpu.memref_slice %arg3[%dma_start3A_385, %add3A_318, %dma_start3A_386] : memref<4x4096x2048xf32, #tpu.memory_space<hbm>> -> memref<1x16x2048xf32, #tpu.memory_space<hbm>>
    %dma_start3A_388 = tpu.memref_squeeze %dma_start3A_387 : memref<1x16x2048xf32, #tpu.memory_space<hbm>> -> memref<16x2048xf32, #tpu.memory_space<hbm>>
    %dma_start3A_389 = arith.constant 0 : i32
    %dma_start3A_390 = arith.constant 0 : i32
    %dma_start3A_391 = tpu.memref_slice %arg6[%arg1, %dma_start3A_389, %dma_start3A_390] : memref<16x16x2048xf32, #tpu.memory_space<vmem_shared>> -> memref<1x16x2048xf32, #tpu.memory_space<vmem_shared>>
    %dma_start3A_392 = tpu.memref_squeeze %dma_start3A_391 : memref<1x16x2048xf32, #tpu.memory_space<vmem_shared>> -> memref<16x2048xf32, #tpu.memory_space<vmem_shared>>
    tpu.enqueue_dma source(%dma_start3A_392 : memref<16x2048xf32, #tpu.memory_space<vmem_shared>>) target(%dma_start3A_388 : memref<16x2048xf32, #tpu.memory_space<hbm>>) target_semaphore(%arg11 : memref<!tpu.dma_semaphore, #tpu.memory_space<semaphore_mem>>)
    %dma_start3A_393 = arith.constant 3 : i32
    %dma_start3A_394 = arith.constant 0 : i32
    %dma_start3A_395 = tpu.memref_slice %arg3[%dma_start3A_393, %add3A_318, %dma_start3A_394] : memref<4x4096x2048xf32, #tpu.memory_space<hbm>> -> memref<1x16x2048xf32, #tpu.memory_space<hbm>>
    %dma_start3A_396 = tpu.memref_squeeze %dma_start3A_395 : memref<1x16x2048xf32, #tpu.memory_space<hbm>> -> memref<16x2048xf32, #tpu.memory_space<hbm>>
    %dma_start3A_397 = arith.constant 0 : i32
    %dma_start3A_398 = arith.constant 0 : i32
    %dma_start3A_399 = tpu.memref_slice %arg6[%arg1, %dma_start3A_397, %dma_start3A_398] : memref<16x16x2048xf32, #tpu.memory_space<vmem_shared>> -> memref<1x16x2048xf32, #tpu.memory_space<vmem_shared>>
    %dma_start3A_400 = tpu.memref_squeeze %dma_start3A_399 : memref<1x16x2048xf32, #tpu.memory_space<vmem_shared>> -> memref<16x2048xf32, #tpu.memory_space<vmem_shared>>
    tpu.enqueue_dma source(%dma_start3A_400 : memref<16x2048xf32, #tpu.memory_space<vmem_shared>>) target(%dma_start3A_396 : memref<16x2048xf32, #tpu.memory_space<hbm>>) target_semaphore(%arg11 : memref<!tpu.dma_semaphore, #tpu.memory_space<semaphore_mem>>)
    %add3A_401 = arith.constant 80 : i32
    %add3A_402 = arith.addi %mul3A_2, %add3A_401 : i32
    %add3A_403 = arith.constant 96 : i32
    %add3A_404 = arith.addi %mul3A_2, %add3A_403 : i32
    %dma_wait3A_405 = arith.constant 0 : i32
    %dma_wait3A_406 = arith.constant 0 : i32
    %dma_wait3A_407 = tpu.memref_slice %arg3[%dma_wait3A_405, %add3A_318, %dma_wait3A_406] : memref<4x4096x2048xf32, #tpu.memory_space<hbm>> -> memref<1x16x2048xf32, #tpu.memory_space<hbm>>
    %dma_wait3A_408 = tpu.memref_squeeze %dma_wait3A_407 : memref<1x16x2048xf32, #tpu.memory_space<hbm>> -> memref<16x2048xf32, #tpu.memory_space<hbm>>
    %dma_wait3A_409 = arith.constant 0 : i32
    %dma_wait3A_410 = tpu.memref_slice %arg3[%dma_wait3A_405, %add3A_318, %dma_wait3A_409] : memref<4x4096x2048xf32, #tpu.memory_space<hbm>> -> memref<1x16x2048xf32, #tpu.memory_space<hbm>>
    %dma_wait3A_411 = tpu.memref_squeeze %dma_wait3A_410 : memref<1x16x2048xf32, #tpu.memory_space<hbm>> -> memref<16x2048xf32, #tpu.memory_space<hbm>>
    tpu.wait_dma2 semaphore(%arg9 : memref<!tpu.dma_semaphore, #tpu.memory_space<semaphore_mem>>) src(%arg4 : memref<16x2048xf32, #tpu.memory_space<vmem>>) dst(%dma_wait3A_411 : memref<16x2048xf32, #tpu.memory_space<hbm>>)
    %dma_wait3A_412 = arith.constant 1 : i32
    %dma_wait3A_413 = arith.constant 0 : i32
    %dma_wait3A_414 = tpu.memref_slice %arg3[%dma_wait3A_412, %add3A_318, %dma_wait3A_413] : memref<4x4096x2048xf32, #tpu.memory_space<hbm>> -> memref<1x16x2048xf32, #tpu.memory_space<hbm>>
    %dma_wait3A_415 = tpu.memref_squeeze %dma_wait3A_414 : memref<1x16x2048xf32, #tpu.memory_space<hbm>> -> memref<16x2048xf32, #tpu.memory_space<hbm>>
    %dma_wait3A_416 = arith.constant 0 : i32
    %dma_wait3A_417 = tpu.memref_slice %arg3[%dma_wait3A_412, %add3A_318, %dma_wait3A_416] : memref<4x4096x2048xf32, #tpu.memory_space<hbm>> -> memref<1x16x2048xf32, #tpu.memory_space<hbm>>
    %dma_wait3A_418 = tpu.memref_squeeze %dma_wait3A_417 : memref<1x16x2048xf32, #tpu.memory_space<hbm>> -> memref<16x2048xf32, #tpu.memory_space<hbm>>
    tpu.wait_dma2 semaphore(%arg9 : memref<!tpu.dma_semaphore, #tpu.memory_space<semaphore_mem>>) src(%arg4 : memref<16x2048xf32, #tpu.memory_space<vmem>>) dst(%dma_wait3A_418 : memref<16x2048xf32, #tpu.memory_space<hbm>>)
    %dma_start3A_419 = arith.constant 0 : i32
    %dma_start3A_420 = tpu.memref_slice %arg2[%add3A_404, %dma_start3A_419] : memref<8192x2048xf32, #tpu.memory_space<hbm>> -> memref<16x2048xf32, #tpu.memory_space<hbm>>
    %dma_start3A_421 = arith.constant 0 : i32
    %dma_start3A_422 = tpu.memref_slice %arg2[%add3A_404, %dma_start3A_421] : memref<8192x2048xf32, #tpu.memory_space<hbm>> -> memref<16x2048xf32, #tpu.memory_space<hbm>>
    tpu.enqueue_dma source(%dma_start3A_422 : memref<16x2048xf32, #tpu.memory_space<hbm>>) target(%arg4 : memref<16x2048xf32, #tpu.memory_space<vmem>>) target_semaphore(%arg8 : memref<!tpu.dma_semaphore, #tpu.memory_space<semaphore_mem>>)
    %dma_wait3A_423 = arith.constant 2 : i32
    %dma_wait3A_424 = arith.constant 0 : i32
    %dma_wait3A_425 = tpu.memref_slice %arg3[%dma_wait3A_423, %add3A_318, %dma_wait3A_424] : memref<4x4096x2048xf32, #tpu.memory_space<hbm>> -> memref<1x16x2048xf32, #tpu.memory_space<hbm>>
    %dma_wait3A_426 = tpu.memref_squeeze %dma_wait3A_425 : memref<1x16x2048xf32, #tpu.memory_space<hbm>> -> memref<16x2048xf32, #tpu.memory_space<hbm>>
    %dma_wait3A_427 = arith.constant 0 : i32
    %dma_wait3A_428 = arith.constant 0 : i32
    %dma_wait3A_429 = tpu.memref_slice %arg6[%arg1, %dma_wait3A_427, %dma_wait3A_428] : memref<16x16x2048xf32, #tpu.memory_space<vmem_shared>> -> memref<1x16x2048xf32, #tpu.memory_space<vmem_shared>>
    %dma_wait3A_430 = tpu.memref_squeeze %dma_wait3A_429 : memref<1x16x2048xf32, #tpu.memory_space<vmem_shared>> -> memref<16x2048xf32, #tpu.memory_space<vmem_shared>>
    tpu.wait_dma2 semaphore(%arg11 : memref<!tpu.dma_semaphore, #tpu.memory_space<semaphore_mem>>) src(%dma_wait3A_430 : memref<16x2048xf32, #tpu.memory_space<vmem_shared>>) dst(%dma_wait3A_426 : memref<16x2048xf32, #tpu.memory_space<hbm>>)
    %dma_wait3A_431 = arith.constant 3 : i32
    %dma_wait3A_432 = arith.constant 0 : i32
    %dma_wait3A_433 = tpu.memref_slice %arg3[%dma_wait3A_431, %add3A_318, %dma_wait3A_432] : memref<4x4096x2048xf32, #tpu.memory_space<hbm>> -> memref<1x16x2048xf32, #tpu.memory_space<hbm>>
    %dma_wait3A_434 = tpu.memref_squeeze %dma_wait3A_433 : memref<1x16x2048xf32, #tpu.memory_space<hbm>> -> memref<16x2048xf32, #tpu.memory_space<hbm>>
    %dma_wait3A_435 = arith.constant 0 : i32
    %dma_wait3A_436 = arith.constant 0 : i32
    %dma_wait3A_437 = tpu.memref_slice %arg6[%arg1, %dma_wait3A_435, %dma_wait3A_436] : memref<16x16x2048xf32, #tpu.memory_space<vmem_shared>> -> memref<1x16x2048xf32, #tpu.memory_space<vmem_shared>>
    %dma_wait3A_438 = tpu.memref_squeeze %dma_wait3A_437 : memref<1x16x2048xf32, #tpu.memory_space<vmem_shared>> -> memref<16x2048xf32, #tpu.memory_space<vmem_shared>>
    tpu.wait_dma2 semaphore(%arg11 : memref<!tpu.dma_semaphore, #tpu.memory_space<semaphore_mem>>) src(%dma_wait3A_438 : memref<16x2048xf32, #tpu.memory_space<vmem_shared>>) dst(%dma_wait3A_434 : memref<16x2048xf32, #tpu.memory_space<hbm>>)
    %dma_start3A_439 = arith.constant 0 : i32
    %dma_start3A_440 = arith.constant 0 : i32
    %dma_start3A_441 = tpu.memref_slice %arg6[%arg1, %dma_start3A_439, %dma_start3A_440] : memref<16x16x2048xf32, #tpu.memory_space<vmem_shared>> -> memref<1x16x2048xf32, #tpu.memory_space<vmem_shared>>
    %dma_start3A_442 = tpu.memref_squeeze %dma_start3A_441 : memref<1x16x2048xf32, #tpu.memory_space<vmem_shared>> -> memref<16x2048xf32, #tpu.memory_space<vmem_shared>>
    %dma_start3A_443 = arith.constant 0 : i32
    %dma_start3A_444 = tpu.memref_slice %arg2[%add3A_404, %dma_start3A_443] : memref<8192x2048xf32, #tpu.memory_space<hbm>> -> memref<16x2048xf32, #tpu.memory_space<hbm>>
    tpu.enqueue_dma source(%dma_start3A_444 : memref<16x2048xf32, #tpu.memory_space<hbm>>) target(%dma_start3A_442 : memref<16x2048xf32, #tpu.memory_space<vmem_shared>>) target_semaphore(%arg10 : memref<!tpu.dma_semaphore, #tpu.memory_space<semaphore_mem>>)
    %dma_wait3A_445 = arith.constant 0 : i32
    %dma_wait3A_446 = tpu.memref_slice %arg2[%add3A_320, %dma_wait3A_445] : memref<8192x2048xf32, #tpu.memory_space<hbm>> -> memref<16x2048xf32, #tpu.memory_space<hbm>>
    %dma_wait3A_447 = arith.constant 0 : i32
    %dma_wait3A_448 = tpu.memref_slice %arg2[%add3A_320, %dma_wait3A_447] : memref<8192x2048xf32, #tpu.memory_space<hbm>> -> memref<16x2048xf32, #tpu.memory_space<hbm>>
    tpu.wait_dma2 semaphore(%arg8 : memref<!tpu.dma_semaphore, #tpu.memory_space<semaphore_mem>>) src(%dma_wait3A_448 : memref<16x2048xf32, #tpu.memory_space<hbm>>) dst(%arg5 : memref<16x2048xf32, #tpu.memory_space<vmem>>)
    %dma_start3A_449 = arith.constant 0 : i32
    %dma_start3A_450 = arith.constant 0 : i32
    %dma_start3A_451 = tpu.memref_slice %arg3[%dma_start3A_449, %add3A_402, %dma_start3A_450] : memref<4x4096x2048xf32, #tpu.memory_space<hbm>> -> memref<1x16x2048xf32, #tpu.memory_space<hbm>>
    %dma_start3A_452 = tpu.memref_squeeze %dma_start3A_451 : memref<1x16x2048xf32, #tpu.memory_space<hbm>> -> memref<16x2048xf32, #tpu.memory_space<hbm>>
    %dma_start3A_453 = arith.constant 0 : i32
    %dma_start3A_454 = tpu.memref_slice %arg3[%dma_start3A_449, %add3A_402, %dma_start3A_453] : memref<4x4096x2048xf32, #tpu.memory_space<hbm>> -> memref<1x16x2048xf32, #tpu.memory_space<hbm>>
    %dma_start3A_455 = tpu.memref_squeeze %dma_start3A_454 : memref<1x16x2048xf32, #tpu.memory_space<hbm>> -> memref<16x2048xf32, #tpu.memory_space<hbm>>
    tpu.enqueue_dma source(%arg5 : memref<16x2048xf32, #tpu.memory_space<vmem>>) target(%dma_start3A_455 : memref<16x2048xf32, #tpu.memory_space<hbm>>) target_semaphore(%arg9 : memref<!tpu.dma_semaphore, #tpu.memory_space<semaphore_mem>>)
    %dma_start3A_456 = arith.constant 1 : i32
    %dma_start3A_457 = arith.constant 0 : i32
    %dma_start3A_458 = tpu.memref_slice %arg3[%dma_start3A_456, %add3A_402, %dma_start3A_457] : memref<4x4096x2048xf32, #tpu.memory_space<hbm>> -> memref<1x16x2048xf32, #tpu.memory_space<hbm>>
    %dma_start3A_459 = tpu.memref_squeeze %dma_start3A_458 : memref<1x16x2048xf32, #tpu.memory_space<hbm>> -> memref<16x2048xf32, #tpu.memory_space<hbm>>
    %dma_start3A_460 = arith.constant 0 : i32
    %dma_start3A_461 = tpu.memref_slice %arg3[%dma_start3A_456, %add3A_402, %dma_start3A_460] : memref<4x4096x2048xf32, #tpu.memory_space<hbm>> -> memref<1x16x2048xf32, #tpu.memory_space<hbm>>
    %dma_start3A_462 = tpu.memref_squeeze %dma_start3A_461 : memref<1x16x2048xf32, #tpu.memory_space<hbm>> -> memref<16x2048xf32, #tpu.memory_space<hbm>>
    tpu.enqueue_dma source(%arg5 : memref<16x2048xf32, #tpu.memory_space<vmem>>) target(%dma_start3A_462 : memref<16x2048xf32, #tpu.memory_space<hbm>>) target_semaphore(%arg9 : memref<!tpu.dma_semaphore, #tpu.memory_space<semaphore_mem>>)
    %dma_wait3A_463 = arith.constant 0 : i32
    %dma_wait3A_464 = arith.constant 0 : i32
    %dma_wait3A_465 = tpu.memref_slice %arg7[%arg1, %dma_wait3A_463, %dma_wait3A_464] : memref<16x16x2048xf32, #tpu.memory_space<vmem_shared>> -> memref<1x16x2048xf32, #tpu.memory_space<vmem_shared>>
    %dma_wait3A_466 = tpu.memref_squeeze %dma_wait3A_465 : memref<1x16x2048xf32, #tpu.memory_space<vmem_shared>> -> memref<16x2048xf32, #tpu.memory_space<vmem_shared>>
    %dma_wait3A_467 = arith.constant 0 : i32
    %dma_wait3A_468 = tpu.memref_slice %arg2[%add3A_320, %dma_wait3A_467] : memref<8192x2048xf32, #tpu.memory_space<hbm>> -> memref<16x2048xf32, #tpu.memory_space<hbm>>
    tpu.wait_dma2 semaphore(%arg10 : memref<!tpu.dma_semaphore, #tpu.memory_space<semaphore_mem>>) src(%dma_wait3A_468 : memref<16x2048xf32, #tpu.memory_space<hbm>>) dst(%dma_wait3A_466 : memref<16x2048xf32, #tpu.memory_space<vmem_shared>>)
    %dma_start3A_469 = arith.constant 2 : i32
    %dma_start3A_470 = arith.constant 0 : i32
    %dma_start3A_471 = tpu.memref_slice %arg3[%dma_start3A_469, %add3A_402, %dma_start3A_470] : memref<4x4096x2048xf32, #tpu.memory_space<hbm>> -> memref<1x16x2048xf32, #tpu.memory_space<hbm>>
    %dma_start3A_472 = tpu.memref_squeeze %dma_start3A_471 : memref<1x16x2048xf32, #tpu.memory_space<hbm>> -> memref<16x2048xf32, #tpu.memory_space<hbm>>
    %dma_start3A_473 = arith.constant 0 : i32
    %dma_start3A_474 = arith.constant 0 : i32
    %dma_start3A_475 = tpu.memref_slice %arg7[%arg1, %dma_start3A_473, %dma_start3A_474] : memref<16x16x2048xf32, #tpu.memory_space<vmem_shared>> -> memref<1x16x2048xf32, #tpu.memory_space<vmem_shared>>
    %dma_start3A_476 = tpu.memref_squeeze %dma_start3A_475 : memref<1x16x2048xf32, #tpu.memory_space<vmem_shared>> -> memref<16x2048xf32, #tpu.memory_space<vmem_shared>>
    tpu.enqueue_dma source(%dma_start3A_476 : memref<16x2048xf32, #tpu.memory_space<vmem_shared>>) target(%dma_start3A_472 : memref<16x2048xf32, #tpu.memory_space<hbm>>) target_semaphore(%arg11 : memref<!tpu.dma_semaphore, #tpu.memory_space<semaphore_mem>>)
    %dma_start3A_477 = arith.constant 3 : i32
    %dma_start3A_478 = arith.constant 0 : i32
    %dma_start3A_479 = tpu.memref_slice %arg3[%dma_start3A_477, %add3A_402, %dma_start3A_478] : memref<4x4096x2048xf32, #tpu.memory_space<hbm>> -> memref<1x16x2048xf32, #tpu.memory_space<hbm>>
    %dma_start3A_480 = tpu.memref_squeeze %dma_start3A_479 : memref<1x16x2048xf32, #tpu.memory_space<hbm>> -> memref<16x2048xf32, #tpu.memory_space<hbm>>
    %dma_start3A_481 = arith.constant 0 : i32
    %dma_start3A_482 = arith.constant 0 : i32
    %dma_start3A_483 = tpu.memref_slice %arg7[%arg1, %dma_start3A_481, %dma_start3A_482] : memref<16x16x2048xf32, #tpu.memory_space<vmem_shared>> -> memref<1x16x2048xf32, #tpu.memory_space<vmem_shared>>
    %dma_start3A_484 = tpu.memref_squeeze %dma_start3A_483 : memref<1x16x2048xf32, #tpu.memory_space<vmem_shared>> -> memref<16x2048xf32, #tpu.memory_space<vmem_shared>>
    tpu.enqueue_dma source(%dma_start3A_484 : memref<16x2048xf32, #tpu.memory_space<vmem_shared>>) target(%dma_start3A_480 : memref<16x2048xf32, #tpu.memory_space<hbm>>) target_semaphore(%arg11 : memref<!tpu.dma_semaphore, #tpu.memory_space<semaphore_mem>>)
    %add3A_485 = arith.constant 96 : i32
    %add3A_486 = arith.addi %mul3A_2, %add3A_485 : i32
    %add3A_487 = arith.constant 112 : i32
    %add3A_488 = arith.addi %mul3A_2, %add3A_487 : i32
    %dma_wait3A_489 = arith.constant 0 : i32
    %dma_wait3A_490 = arith.constant 0 : i32
    %dma_wait3A_491 = tpu.memref_slice %arg3[%dma_wait3A_489, %add3A_402, %dma_wait3A_490] : memref<4x4096x2048xf32, #tpu.memory_space<hbm>> -> memref<1x16x2048xf32, #tpu.memory_space<hbm>>
    %dma_wait3A_492 = tpu.memref_squeeze %dma_wait3A_491 : memref<1x16x2048xf32, #tpu.memory_space<hbm>> -> memref<16x2048xf32, #tpu.memory_space<hbm>>
    %dma_wait3A_493 = arith.constant 0 : i32
    %dma_wait3A_494 = tpu.memref_slice %arg3[%dma_wait3A_489, %add3A_402, %dma_wait3A_493] : memref<4x4096x2048xf32, #tpu.memory_space<hbm>> -> memref<1x16x2048xf32, #tpu.memory_space<hbm>>
    %dma_wait3A_495 = tpu.memref_squeeze %dma_wait3A_494 : memref<1x16x2048xf32, #tpu.memory_space<hbm>> -> memref<16x2048xf32, #tpu.memory_space<hbm>>
    tpu.wait_dma2 semaphore(%arg9 : memref<!tpu.dma_semaphore, #tpu.memory_space<semaphore_mem>>) src(%arg5 : memref<16x2048xf32, #tpu.memory_space<vmem>>) dst(%dma_wait3A_495 : memref<16x2048xf32, #tpu.memory_space<hbm>>)
    %dma_wait3A_496 = arith.constant 1 : i32
    %dma_wait3A_497 = arith.constant 0 : i32
    %dma_wait3A_498 = tpu.memref_slice %arg3[%dma_wait3A_496, %add3A_402, %dma_wait3A_497] : memref<4x4096x2048xf32, #tpu.memory_space<hbm>> -> memref<1x16x2048xf32, #tpu.memory_space<hbm>>
    %dma_wait3A_499 = tpu.memref_squeeze %dma_wait3A_498 : memref<1x16x2048xf32, #tpu.memory_space<hbm>> -> memref<16x2048xf32, #tpu.memory_space<hbm>>
    %dma_wait3A_500 = arith.constant 0 : i32
    %dma_wait3A_501 = tpu.memref_slice %arg3[%dma_wait3A_496, %add3A_402, %dma_wait3A_500] : memref<4x4096x2048xf32, #tpu.memory_space<hbm>> -> memref<1x16x2048xf32, #tpu.memory_space<hbm>>
    %dma_wait3A_502 = tpu.memref_squeeze %dma_wait3A_501 : memref<1x16x2048xf32, #tpu.memory_space<hbm>> -> memref<16x2048xf32, #tpu.memory_space<hbm>>
    tpu.wait_dma2 semaphore(%arg9 : memref<!tpu.dma_semaphore, #tpu.memory_space<semaphore_mem>>) src(%arg5 : memref<16x2048xf32, #tpu.memory_space<vmem>>) dst(%dma_wait3A_502 : memref<16x2048xf32, #tpu.memory_space<hbm>>)
    %dma_start3A_503 = arith.constant 0 : i32
    %dma_start3A_504 = tpu.memref_slice %arg2[%add3A_488, %dma_start3A_503] : memref<8192x2048xf32, #tpu.memory_space<hbm>> -> memref<16x2048xf32, #tpu.memory_space<hbm>>
    %dma_start3A_505 = arith.constant 0 : i32
    %dma_start3A_506 = tpu.memref_slice %arg2[%add3A_488, %dma_start3A_505] : memref<8192x2048xf32, #tpu.memory_space<hbm>> -> memref<16x2048xf32, #tpu.memory_space<hbm>>
    tpu.enqueue_dma source(%dma_start3A_506 : memref<16x2048xf32, #tpu.memory_space<hbm>>) target(%arg5 : memref<16x2048xf32, #tpu.memory_space<vmem>>) target_semaphore(%arg8 : memref<!tpu.dma_semaphore, #tpu.memory_space<semaphore_mem>>)
    %dma_wait3A_507 = arith.constant 2 : i32
    %dma_wait3A_508 = arith.constant 0 : i32
    %dma_wait3A_509 = tpu.memref_slice %arg3[%dma_wait3A_507, %add3A_402, %dma_wait3A_508] : memref<4x4096x2048xf32, #tpu.memory_space<hbm>> -> memref<1x16x2048xf32, #tpu.memory_space<hbm>>
    %dma_wait3A_510 = tpu.memref_squeeze %dma_wait3A_509 : memref<1x16x2048xf32, #tpu.memory_space<hbm>> -> memref<16x2048xf32, #tpu.memory_space<hbm>>
    %dma_wait3A_511 = arith.constant 0 : i32
    %dma_wait3A_512 = arith.constant 0 : i32
    %dma_wait3A_513 = tpu.memref_slice %arg7[%arg1, %dma_wait3A_511, %dma_wait3A_512] : memref<16x16x2048xf32, #tpu.memory_space<vmem_shared>> -> memref<1x16x2048xf32, #tpu.memory_space<vmem_shared>>
    %dma_wait3A_514 = tpu.memref_squeeze %dma_wait3A_513 : memref<1x16x2048xf32, #tpu.memory_space<vmem_shared>> -> memref<16x2048xf32, #tpu.memory_space<vmem_shared>>
    tpu.wait_dma2 semaphore(%arg11 : memref<!tpu.dma_semaphore, #tpu.memory_space<semaphore_mem>>) src(%dma_wait3A_514 : memref<16x2048xf32, #tpu.memory_space<vmem_shared>>) dst(%dma_wait3A_510 : memref<16x2048xf32, #tpu.memory_space<hbm>>)
    %dma_wait3A_515 = arith.constant 3 : i32
    %dma_wait3A_516 = arith.constant 0 : i32
    %dma_wait3A_517 = tpu.memref_slice %arg3[%dma_wait3A_515, %add3A_402, %dma_wait3A_516] : memref<4x4096x2048xf32, #tpu.memory_space<hbm>> -> memref<1x16x2048xf32, #tpu.memory_space<hbm>>
    %dma_wait3A_518 = tpu.memref_squeeze %dma_wait3A_517 : memref<1x16x2048xf32, #tpu.memory_space<hbm>> -> memref<16x2048xf32, #tpu.memory_space<hbm>>
    %dma_wait3A_519 = arith.constant 0 : i32
    %dma_wait3A_520 = arith.constant 0 : i32
    %dma_wait3A_521 = tpu.memref_slice %arg7[%arg1, %dma_wait3A_519, %dma_wait3A_520] : memref<16x16x2048xf32, #tpu.memory_space<vmem_shared>> -> memref<1x16x2048xf32, #tpu.memory_space<vmem_shared>>
    %dma_wait3A_522 = tpu.memref_squeeze %dma_wait3A_521 : memref<1x16x2048xf32, #tpu.memory_space<vmem_shared>> -> memref<16x2048xf32, #tpu.memory_space<vmem_shared>>
    tpu.wait_dma2 semaphore(%arg11 : memref<!tpu.dma_semaphore, #tpu.memory_space<semaphore_mem>>) src(%dma_wait3A_522 : memref<16x2048xf32, #tpu.memory_space<vmem_shared>>) dst(%dma_wait3A_518 : memref<16x2048xf32, #tpu.memory_space<hbm>>)
    %dma_start3A_523 = arith.constant 0 : i32
    %dma_start3A_524 = arith.constant 0 : i32
    %dma_start3A_525 = tpu.memref_slice %arg7[%arg1, %dma_start3A_523, %dma_start3A_524] : memref<16x16x2048xf32, #tpu.memory_space<vmem_shared>> -> memref<1x16x2048xf32, #tpu.memory_space<vmem_shared>>
    %dma_start3A_526 = tpu.memref_squeeze %dma_start3A_525 : memref<1x16x2048xf32, #tpu.memory_space<vmem_shared>> -> memref<16x2048xf32, #tpu.memory_space<vmem_shared>>
    %dma_start3A_527 = arith.constant 0 : i32
    %dma_start3A_528 = tpu.memref_slice %arg2[%add3A_488, %dma_start3A_527] : memref<8192x2048xf32, #tpu.memory_space<hbm>> -> memref<16x2048xf32, #tpu.memory_space<hbm>>
    tpu.enqueue_dma source(%dma_start3A_528 : memref<16x2048xf32, #tpu.memory_space<hbm>>) target(%dma_start3A_526 : memref<16x2048xf32, #tpu.memory_space<vmem_shared>>) target_semaphore(%arg10 : memref<!tpu.dma_semaphore, #tpu.memory_space<semaphore_mem>>)
    %dma_wait3A_529 = arith.constant 0 : i32
    %dma_wait3A_530 = tpu.memref_slice %arg2[%add3A_404, %dma_wait3A_529] : memref<8192x2048xf32, #tpu.memory_space<hbm>> -> memref<16x2048xf32, #tpu.memory_space<hbm>>
    %dma_wait3A_531 = arith.constant 0 : i32
    %dma_wait3A_532 = tpu.memref_slice %arg2[%add3A_404, %dma_wait3A_531] : memref<8192x2048xf32, #tpu.memory_space<hbm>> -> memref<16x2048xf32, #tpu.memory_space<hbm>>
    tpu.wait_dma2 semaphore(%arg8 : memref<!tpu.dma_semaphore, #tpu.memory_space<semaphore_mem>>) src(%dma_wait3A_532 : memref<16x2048xf32, #tpu.memory_space<hbm>>) dst(%arg4 : memref<16x2048xf32, #tpu.memory_space<vmem>>)
    %dma_start3A_533 = arith.constant 0 : i32
    %dma_start3A_534 = arith.constant 0 : i32
    %dma_start3A_535 = tpu.memref_slice %arg3[%dma_start3A_533, %add3A_486, %dma_start3A_534] : memref<4x4096x2048xf32, #tpu.memory_space<hbm>> -> memref<1x16x2048xf32, #tpu.memory_space<hbm>>
    %dma_start3A_536 = tpu.memref_squeeze %dma_start3A_535 : memref<1x16x2048xf32, #tpu.memory_space<hbm>> -> memref<16x2048xf32, #tpu.memory_space<hbm>>
    %dma_start3A_537 = arith.constant 0 : i32
    %dma_start3A_538 = tpu.memref_slice %arg3[%dma_start3A_533, %add3A_486, %dma_start3A_537] : memref<4x4096x2048xf32, #tpu.memory_space<hbm>> -> memref<1x16x2048xf32, #tpu.memory_space<hbm>>
    %dma_start3A_539 = tpu.memref_squeeze %dma_start3A_538 : memref<1x16x2048xf32, #tpu.memory_space<hbm>> -> memref<16x2048xf32, #tpu.memory_space<hbm>>
    tpu.enqueue_dma source(%arg4 : memref<16x2048xf32, #tpu.memory_space<vmem>>) target(%dma_start3A_539 : memref<16x2048xf32, #tpu.memory_space<hbm>>) target_semaphore(%arg9 : memref<!tpu.dma_semaphore, #tpu.memory_space<semaphore_mem>>)
    %dma_start3A_540 = arith.constant 1 : i32
    %dma_start3A_541 = arith.constant 0 : i32
    %dma_start3A_542 = tpu.memref_slice %arg3[%dma_start3A_540, %add3A_486, %dma_start3A_541] : memref<4x4096x2048xf32, #tpu.memory_space<hbm>> -> memref<1x16x2048xf32, #tpu.memory_space<hbm>>
    %dma_start3A_543 = tpu.memref_squeeze %dma_start3A_542 : memref<1x16x2048xf32, #tpu.memory_space<hbm>> -> memref<16x2048xf32, #tpu.memory_space<hbm>>
    %dma_start3A_544 = arith.constant 0 : i32
    %dma_start3A_545 = tpu.memref_slice %arg3[%dma_start3A_540, %add3A_486, %dma_start3A_544] : memref<4x4096x2048xf32, #tpu.memory_space<hbm>> -> memref<1x16x2048xf32, #tpu.memory_space<hbm>>
    %dma_start3A_546 = tpu.memref_squeeze %dma_start3A_545 : memref<1x16x2048xf32, #tpu.memory_space<hbm>> -> memref<16x2048xf32, #tpu.memory_space<hbm>>
    tpu.enqueue_dma source(%arg4 : memref<16x2048xf32, #tpu.memory_space<vmem>>) target(%dma_start3A_546 : memref<16x2048xf32, #tpu.memory_space<hbm>>) target_semaphore(%arg9 : memref<!tpu.dma_semaphore, #tpu.memory_space<semaphore_mem>>)
    %dma_wait3A_547 = arith.constant 0 : i32
    %dma_wait3A_548 = arith.constant 0 : i32
    %dma_wait3A_549 = tpu.memref_slice %arg6[%arg1, %dma_wait3A_547, %dma_wait3A_548] : memref<16x16x2048xf32, #tpu.memory_space<vmem_shared>> -> memref<1x16x2048xf32, #tpu.memory_space<vmem_shared>>
    %dma_wait3A_550 = tpu.memref_squeeze %dma_wait3A_549 : memref<1x16x2048xf32, #tpu.memory_space<vmem_shared>> -> memref<16x2048xf32, #tpu.memory_space<vmem_shared>>
    %dma_wait3A_551 = arith.constant 0 : i32
    %dma_wait3A_552 = tpu.memref_slice %arg2[%add3A_404, %dma_wait3A_551] : memref<8192x2048xf32, #tpu.memory_space<hbm>> -> memref<16x2048xf32, #tpu.memory_space<hbm>>
    tpu.wait_dma2 semaphore(%arg10 : memref<!tpu.dma_semaphore, #tpu.memory_space<semaphore_mem>>) src(%dma_wait3A_552 : memref<16x2048xf32, #tpu.memory_space<hbm>>) dst(%dma_wait3A_550 : memref<16x2048xf32, #tpu.memory_space<vmem_shared>>)
    %dma_start3A_553 = arith.constant 2 : i32
    %dma_start3A_554 = arith.constant 0 : i32
    %dma_start3A_555 = tpu.memref_slice %arg3[%dma_start3A_553, %add3A_486, %dma_start3A_554] : memref<4x4096x2048xf32, #tpu.memory_space<hbm>> -> memref<1x16x2048xf32, #tpu.memory_space<hbm>>
    %dma_start3A_556 = tpu.memref_squeeze %dma_start3A_555 : memref<1x16x2048xf32, #tpu.memory_space<hbm>> -> memref<16x2048xf32, #tpu.memory_space<hbm>>
    %dma_start3A_557 = arith.constant 0 : i32
    %dma_start3A_558 = arith.constant 0 : i32
    %dma_start3A_559 = tpu.memref_slice %arg6[%arg1, %dma_start3A_557, %dma_start3A_558] : memref<16x16x2048xf32, #tpu.memory_space<vmem_shared>> -> memref<1x16x2048xf32, #tpu.memory_space<vmem_shared>>
    %dma_start3A_560 = tpu.memref_squeeze %dma_start3A_559 : memref<1x16x2048xf32, #tpu.memory_space<vmem_shared>> -> memref<16x2048xf32, #tpu.memory_space<vmem_shared>>
    tpu.enqueue_dma source(%dma_start3A_560 : memref<16x2048xf32, #tpu.memory_space<vmem_shared>>) target(%dma_start3A_556 : memref<16x2048xf32, #tpu.memory_space<hbm>>) target_semaphore(%arg11 : memref<!tpu.dma_semaphore, #tpu.memory_space<semaphore_mem>>)
    %dma_start3A_561 = arith.constant 3 : i32
    %dma_start3A_562 = arith.constant 0 : i32
    %dma_start3A_563 = tpu.memref_slice %arg3[%dma_start3A_561, %add3A_486, %dma_start3A_562] : memref<4x4096x2048xf32, #tpu.memory_space<hbm>> -> memref<1x16x2048xf32, #tpu.memory_space<hbm>>
    %dma_start3A_564 = tpu.memref_squeeze %dma_start3A_563 : memref<1x16x2048xf32, #tpu.memory_space<hbm>> -> memref<16x2048xf32, #tpu.memory_space<hbm>>
    %dma_start3A_565 = arith.constant 0 : i32
    %dma_start3A_566 = arith.constant 0 : i32
    %dma_start3A_567 = tpu.memref_slice %arg6[%arg1, %dma_start3A_565, %dma_start3A_566] : memref<16x16x2048xf32, #tpu.memory_space<vmem_shared>> -> memref<1x16x2048xf32, #tpu.memory_space<vmem_shared>>
    %dma_start3A_568 = tpu.memref_squeeze %dma_start3A_567 : memref<1x16x2048xf32, #tpu.memory_space<vmem_shared>> -> memref<16x2048xf32, #tpu.memory_space<vmem_shared>>
    tpu.enqueue_dma source(%dma_start3A_568 : memref<16x2048xf32, #tpu.memory_space<vmem_shared>>) target(%dma_start3A_564 : memref<16x2048xf32, #tpu.memory_space<hbm>>) target_semaphore(%arg11 : memref<!tpu.dma_semaphore, #tpu.memory_space<semaphore_mem>>)
    %add3A_569 = arith.constant 112 : i32
    %add3A_570 = arith.addi %mul3A_2, %add3A_569 : i32
    %dma_wait3A_571 = arith.constant 0 : i32
    %dma_wait3A_572 = tpu.memref_slice %arg2[%add3A_488, %dma_wait3A_571] : memref<8192x2048xf32, #tpu.memory_space<hbm>> -> memref<16x2048xf32, #tpu.memory_space<hbm>>
    %dma_wait3A_573 = arith.constant 0 : i32
    %dma_wait3A_574 = tpu.memref_slice %arg2[%add3A_488, %dma_wait3A_573] : memref<8192x2048xf32, #tpu.memory_space<hbm>> -> memref<16x2048xf32, #tpu.memory_space<hbm>>
    tpu.wait_dma2 semaphore(%arg8 : memref<!tpu.dma_semaphore, #tpu.memory_space<semaphore_mem>>) src(%dma_wait3A_574 : memref<16x2048xf32, #tpu.memory_space<hbm>>) dst(%arg5 : memref<16x2048xf32, #tpu.memory_space<vmem>>)
    %dma_start3A_575 = arith.constant 0 : i32
    %dma_start3A_576 = arith.constant 0 : i32
    %dma_start3A_577 = tpu.memref_slice %arg3[%dma_start3A_575, %add3A_570, %dma_start3A_576] : memref<4x4096x2048xf32, #tpu.memory_space<hbm>> -> memref<1x16x2048xf32, #tpu.memory_space<hbm>>
    %dma_start3A_578 = tpu.memref_squeeze %dma_start3A_577 : memref<1x16x2048xf32, #tpu.memory_space<hbm>> -> memref<16x2048xf32, #tpu.memory_space<hbm>>
    %dma_start3A_579 = arith.constant 0 : i32
    %dma_start3A_580 = tpu.memref_slice %arg3[%dma_start3A_575, %add3A_570, %dma_start3A_579] : memref<4x4096x2048xf32, #tpu.memory_space<hbm>> -> memref<1x16x2048xf32, #tpu.memory_space<hbm>>
    %dma_start3A_581 = tpu.memref_squeeze %dma_start3A_580 : memref<1x16x2048xf32, #tpu.memory_space<hbm>> -> memref<16x2048xf32, #tpu.memory_space<hbm>>
    tpu.enqueue_dma source(%arg5 : memref<16x2048xf32, #tpu.memory_space<vmem>>) target(%dma_start3A_581 : memref<16x2048xf32, #tpu.memory_space<hbm>>) target_semaphore(%arg9 : memref<!tpu.dma_semaphore, #tpu.memory_space<semaphore_mem>>)
    %dma_start3A_582 = arith.constant 1 : i32
    %dma_start3A_583 = arith.constant 0 : i32
    %dma_start3A_584 = tpu.memref_slice %arg3[%dma_start3A_582, %add3A_570, %dma_start3A_583] : memref<4x4096x2048xf32, #tpu.memory_space<hbm>> -> memref<1x16x2048xf32, #tpu.memory_space<hbm>>
    %dma_start3A_585 = tpu.memref_squeeze %dma_start3A_584 : memref<1x16x2048xf32, #tpu.memory_space<hbm>> -> memref<16x2048xf32, #tpu.memory_space<hbm>>
    %dma_start3A_586 = arith.constant 0 : i32
    %dma_start3A_587 = tpu.memref_slice %arg3[%dma_start3A_582, %add3A_570, %dma_start3A_586] : memref<4x4096x2048xf32, #tpu.memory_space<hbm>> -> memref<1x16x2048xf32, #tpu.memory_space<hbm>>
    %dma_start3A_588 = tpu.memref_squeeze %dma_start3A_587 : memref<1x16x2048xf32, #tpu.memory_space<hbm>> -> memref<16x2048xf32, #tpu.memory_space<hbm>>
    tpu.enqueue_dma source(%arg5 : memref<16x2048xf32, #tpu.memory_space<vmem>>) target(%dma_start3A_588 : memref<16x2048xf32, #tpu.memory_space<hbm>>) target_semaphore(%arg9 : memref<!tpu.dma_semaphore, #tpu.memory_space<semaphore_mem>>)
    %dma_wait3A_589 = arith.constant 0 : i32
    %dma_wait3A_590 = arith.constant 0 : i32
    %dma_wait3A_591 = tpu.memref_slice %arg7[%arg1, %dma_wait3A_589, %dma_wait3A_590] : memref<16x16x2048xf32, #tpu.memory_space<vmem_shared>> -> memref<1x16x2048xf32, #tpu.memory_space<vmem_shared>>
    %dma_wait3A_592 = tpu.memref_squeeze %dma_wait3A_591 : memref<1x16x2048xf32, #tpu.memory_space<vmem_shared>> -> memref<16x2048xf32, #tpu.memory_space<vmem_shared>>
    %dma_wait3A_593 = arith.constant 0 : i32
    %dma_wait3A_594 = tpu.memref_slice %arg2[%add3A_488, %dma_wait3A_593] : memref<8192x2048xf32, #tpu.memory_space<hbm>> -> memref<16x2048xf32, #tpu.memory_space<hbm>>
    tpu.wait_dma2 semaphore(%arg10 : memref<!tpu.dma_semaphore, #tpu.memory_space<semaphore_mem>>) src(%dma_wait3A_594 : memref<16x2048xf32, #tpu.memory_space<hbm>>) dst(%dma_wait3A_592 : memref<16x2048xf32, #tpu.memory_space<vmem_shared>>)
    %dma_start3A_595 = arith.constant 2 : i32
    %dma_start3A_596 = arith.constant 0 : i32
    %dma_start3A_597 = tpu.memref_slice %arg3[%dma_start3A_595, %add3A_570, %dma_start3A_596] : memref<4x4096x2048xf32, #tpu.memory_space<hbm>> -> memref<1x16x2048xf32, #tpu.memory_space<hbm>>
    %dma_start3A_598 = tpu.memref_squeeze %dma_start3A_597 : memref<1x16x2048xf32, #tpu.memory_space<hbm>> -> memref<16x2048xf32, #tpu.memory_space<hbm>>
    %dma_start3A_599 = arith.constant 0 : i32
    %dma_start3A_600 = arith.constant 0 : i32
    %dma_start3A_601 = tpu.memref_slice %arg7[%arg1, %dma_start3A_599, %dma_start3A_600] : memref<16x16x2048xf32, #tpu.memory_space<vmem_shared>> -> memref<1x16x2048xf32, #tpu.memory_space<vmem_shared>>
    %dma_start3A_602 = tpu.memref_squeeze %dma_start3A_601 : memref<1x16x2048xf32, #tpu.memory_space<vmem_shared>> -> memref<16x2048xf32, #tpu.memory_space<vmem_shared>>
    tpu.enqueue_dma source(%dma_start3A_602 : memref<16x2048xf32, #tpu.memory_space<vmem_shared>>) target(%dma_start3A_598 : memref<16x2048xf32, #tpu.memory_space<hbm>>) target_semaphore(%arg11 : memref<!tpu.dma_semaphore, #tpu.memory_space<semaphore_mem>>)
    %dma_start3A_603 = arith.constant 3 : i32
    %dma_start3A_604 = arith.constant 0 : i32
    %dma_start3A_605 = tpu.memref_slice %arg3[%dma_start3A_603, %add3A_570, %dma_start3A_604] : memref<4x4096x2048xf32, #tpu.memory_space<hbm>> -> memref<1x16x2048xf32, #tpu.memory_space<hbm>>
    %dma_start3A_606 = tpu.memref_squeeze %dma_start3A_605 : memref<1x16x2048xf32, #tpu.memory_space<hbm>> -> memref<16x2048xf32, #tpu.memory_space<hbm>>
    %dma_start3A_607 = arith.constant 0 : i32
    %dma_start3A_608 = arith.constant 0 : i32
    %dma_start3A_609 = tpu.memref_slice %arg7[%arg1, %dma_start3A_607, %dma_start3A_608] : memref<16x16x2048xf32, #tpu.memory_space<vmem_shared>> -> memref<1x16x2048xf32, #tpu.memory_space<vmem_shared>>
    %dma_start3A_610 = tpu.memref_squeeze %dma_start3A_609 : memref<1x16x2048xf32, #tpu.memory_space<vmem_shared>> -> memref<16x2048xf32, #tpu.memory_space<vmem_shared>>
    tpu.enqueue_dma source(%dma_start3A_610 : memref<16x2048xf32, #tpu.memory_space<vmem_shared>>) target(%dma_start3A_606 : memref<16x2048xf32, #tpu.memory_space<hbm>>) target_semaphore(%arg11 : memref<!tpu.dma_semaphore, #tpu.memory_space<semaphore_mem>>)
    %dma_wait3A_611 = arith.constant 0 : i32
    %dma_wait3A_612 = arith.constant 0 : i32
    %dma_wait3A_613 = tpu.memref_slice %arg3[%dma_wait3A_611, %add3A_486, %dma_wait3A_612] : memref<4x4096x2048xf32, #tpu.memory_space<hbm>> -> memref<1x16x2048xf32, #tpu.memory_space<hbm>>
    %dma_wait3A_614 = tpu.memref_squeeze %dma_wait3A_613 : memref<1x16x2048xf32, #tpu.memory_space<hbm>> -> memref<16x2048xf32, #tpu.memory_space<hbm>>
    %dma_wait3A_615 = arith.constant 0 : i32
    %dma_wait3A_616 = tpu.memref_slice %arg3[%dma_wait3A_611, %add3A_486, %dma_wait3A_615] : memref<4x4096x2048xf32, #tpu.memory_space<hbm>> -> memref<1x16x2048xf32, #tpu.memory_space<hbm>>
    %dma_wait3A_617 = tpu.memref_squeeze %dma_wait3A_616 : memref<1x16x2048xf32, #tpu.memory_space<hbm>> -> memref<16x2048xf32, #tpu.memory_space<hbm>>
    tpu.wait_dma2 semaphore(%arg9 : memref<!tpu.dma_semaphore, #tpu.memory_space<semaphore_mem>>) src(%arg4 : memref<16x2048xf32, #tpu.memory_space<vmem>>) dst(%dma_wait3A_617 : memref<16x2048xf32, #tpu.memory_space<hbm>>)
    %dma_wait3A_618 = arith.constant 1 : i32
    %dma_wait3A_619 = arith.constant 0 : i32
    %dma_wait3A_620 = tpu.memref_slice %arg3[%dma_wait3A_618, %add3A_486, %dma_wait3A_619] : memref<4x4096x2048xf32, #tpu.memory_space<hbm>> -> memref<1x16x2048xf32, #tpu.memory_space<hbm>>
    %dma_wait3A_621 = tpu.memref_squeeze %dma_wait3A_620 : memref<1x16x2048xf32, #tpu.memory_space<hbm>> -> memref<16x2048xf32, #tpu.memory_space<hbm>>
    %dma_wait3A_622 = arith.constant 0 : i32
    %dma_wait3A_623 = tpu.memref_slice %arg3[%dma_wait3A_618, %add3A_486, %dma_wait3A_622] : memref<4x4096x2048xf32, #tpu.memory_space<hbm>> -> memref<1x16x2048xf32, #tpu.memory_space<hbm>>
    %dma_wait3A_624 = tpu.memref_squeeze %dma_wait3A_623 : memref<1x16x2048xf32, #tpu.memory_space<hbm>> -> memref<16x2048xf32, #tpu.memory_space<hbm>>
    tpu.wait_dma2 semaphore(%arg9 : memref<!tpu.dma_semaphore, #tpu.memory_space<semaphore_mem>>) src(%arg4 : memref<16x2048xf32, #tpu.memory_space<vmem>>) dst(%dma_wait3A_624 : memref<16x2048xf32, #tpu.memory_space<hbm>>)
    %dma_wait3A_625 = arith.constant 0 : i32
    %dma_wait3A_626 = arith.constant 0 : i32
    %dma_wait3A_627 = tpu.memref_slice %arg3[%dma_wait3A_625, %add3A_570, %dma_wait3A_626] : memref<4x4096x2048xf32, #tpu.memory_space<hbm>> -> memref<1x16x2048xf32, #tpu.memory_space<hbm>>
    %dma_wait3A_628 = tpu.memref_squeeze %dma_wait3A_627 : memref<1x16x2048xf32, #tpu.memory_space<hbm>> -> memref<16x2048xf32, #tpu.memory_space<hbm>>
    %dma_wait3A_629 = arith.constant 0 : i32
    %dma_wait3A_630 = tpu.memref_slice %arg3[%dma_wait3A_625, %add3A_570, %dma_wait3A_629] : memref<4x4096x2048xf32, #tpu.memory_space<hbm>> -> memref<1x16x2048xf32, #tpu.memory_space<hbm>>
    %dma_wait3A_631 = tpu.memref_squeeze %dma_wait3A_630 : memref<1x16x2048xf32, #tpu.memory_space<hbm>> -> memref<16x2048xf32, #tpu.memory_space<hbm>>
    tpu.wait_dma2 semaphore(%arg9 : memref<!tpu.dma_semaphore, #tpu.memory_space<semaphore_mem>>) src(%arg5 : memref<16x2048xf32, #tpu.memory_space<vmem>>) dst(%dma_wait3A_631 : memref<16x2048xf32, #tpu.memory_space<hbm>>)
    %dma_wait3A_632 = arith.constant 1 : i32
    %dma_wait3A_633 = arith.constant 0 : i32
    %dma_wait3A_634 = tpu.memref_slice %arg3[%dma_wait3A_632, %add3A_570, %dma_wait3A_633] : memref<4x4096x2048xf32, #tpu.memory_space<hbm>> -> memref<1x16x2048xf32, #tpu.memory_space<hbm>>
    %dma_wait3A_635 = tpu.memref_squeeze %dma_wait3A_634 : memref<1x16x2048xf32, #tpu.memory_space<hbm>> -> memref<16x2048xf32, #tpu.memory_space<hbm>>
    %dma_wait3A_636 = arith.constant 0 : i32
    %dma_wait3A_637 = tpu.memref_slice %arg3[%dma_wait3A_632, %add3A_570, %dma_wait3A_636] : memref<4x4096x2048xf32, #tpu.memory_space<hbm>> -> memref<1x16x2048xf32, #tpu.memory_space<hbm>>
    %dma_wait3A_638 = tpu.memref_squeeze %dma_wait3A_637 : memref<1x16x2048xf32, #tpu.memory_space<hbm>> -> memref<16x2048xf32, #tpu.memory_space<hbm>>
    tpu.wait_dma2 semaphore(%arg9 : memref<!tpu.dma_semaphore, #tpu.memory_space<semaphore_mem>>) src(%arg5 : memref<16x2048xf32, #tpu.memory_space<vmem>>) dst(%dma_wait3A_638 : memref<16x2048xf32, #tpu.memory_space<hbm>>)
    %dma_wait3A_639 = arith.constant 2 : i32
    %dma_wait3A_640 = arith.constant 0 : i32
    %dma_wait3A_641 = tpu.memref_slice %arg3[%dma_wait3A_639, %add3A_486, %dma_wait3A_640] : memref<4x4096x2048xf32, #tpu.memory_space<hbm>> -> memref<1x16x2048xf32, #tpu.memory_space<hbm>>
    %dma_wait3A_642 = tpu.memref_squeeze %dma_wait3A_641 : memref<1x16x2048xf32, #tpu.memory_space<hbm>> -> memref<16x2048xf32, #tpu.memory_space<hbm>>
    %dma_wait3A_643 = arith.constant 0 : i32
    %dma_wait3A_644 = arith.constant 0 : i32
    %dma_wait3A_645 = tpu.memref_slice %arg6[%arg1, %dma_wait3A_643, %dma_wait3A_644] : memref<16x16x2048xf32, #tpu.memory_space<vmem_shared>> -> memref<1x16x2048xf32, #tpu.memory_space<vmem_shared>>
    %dma_wait3A_646 = tpu.memref_squeeze %dma_wait3A_645 : memref<1x16x2048xf32, #tpu.memory_space<vmem_shared>> -> memref<16x2048xf32, #tpu.memory_space<vmem_shared>>
    tpu.wait_dma2 semaphore(%arg11 : memref<!tpu.dma_semaphore, #tpu.memory_space<semaphore_mem>>) src(%dma_wait3A_646 : memref<16x2048xf32, #tpu.memory_space<vmem_shared>>) dst(%dma_wait3A_642 : memref<16x2048xf32, #tpu.memory_space<hbm>>)
    %dma_wait3A_647 = arith.constant 3 : i32
    %dma_wait3A_648 = arith.constant 0 : i32
    %dma_wait3A_649 = tpu.memref_slice %arg3[%dma_wait3A_647, %add3A_486, %dma_wait3A_648] : memref<4x4096x2048xf32, #tpu.memory_space<hbm>> -> memref<1x16x2048xf32, #tpu.memory_space<hbm>>
    %dma_wait3A_650 = tpu.memref_squeeze %dma_wait3A_649 : memref<1x16x2048xf32, #tpu.memory_space<hbm>> -> memref<16x2048xf32, #tpu.memory_space<hbm>>
    %dma_wait3A_651 = arith.constant 0 : i32
    %dma_wait3A_652 = arith.constant 0 : i32
    %dma_wait3A_653 = tpu.memref_slice %arg6[%arg1, %dma_wait3A_651, %dma_wait3A_652] : memref<16x16x2048xf32, #tpu.memory_space<vmem_shared>> -> memref<1x16x2048xf32, #tpu.memory_space<vmem_shared>>
    %dma_wait3A_654 = tpu.memref_squeeze %dma_wait3A_653 : memref<1x16x2048xf32, #tpu.memory_space<vmem_shared>> -> memref<16x2048xf32, #tpu.memory_space<vmem_shared>>
    tpu.wait_dma2 semaphore(%arg11 : memref<!tpu.dma_semaphore, #tpu.memory_space<semaphore_mem>>) src(%dma_wait3A_654 : memref<16x2048xf32, #tpu.memory_space<vmem_shared>>) dst(%dma_wait3A_650 : memref<16x2048xf32, #tpu.memory_space<hbm>>)
    %dma_wait3A_655 = arith.constant 2 : i32
    %dma_wait3A_656 = arith.constant 0 : i32
    %dma_wait3A_657 = tpu.memref_slice %arg3[%dma_wait3A_655, %add3A_570, %dma_wait3A_656] : memref<4x4096x2048xf32, #tpu.memory_space<hbm>> -> memref<1x16x2048xf32, #tpu.memory_space<hbm>>
    %dma_wait3A_658 = tpu.memref_squeeze %dma_wait3A_657 : memref<1x16x2048xf32, #tpu.memory_space<hbm>> -> memref<16x2048xf32, #tpu.memory_space<hbm>>
    %dma_wait3A_659 = arith.constant 0 : i32
    %dma_wait3A_660 = arith.constant 0 : i32
    %dma_wait3A_661 = tpu.memref_slice %arg7[%arg1, %dma_wait3A_659, %dma_wait3A_660] : memref<16x16x2048xf32, #tpu.memory_space<vmem_shared>> -> memref<1x16x2048xf32, #tpu.memory_space<vmem_shared>>
    %dma_wait3A_662 = tpu.memref_squeeze %dma_wait3A_661 : memref<1x16x2048xf32, #tpu.memory_space<vmem_shared>> -> memref<16x2048xf32, #tpu.memory_space<vmem_shared>>
    tpu.wait_dma2 semaphore(%arg11 : memref<!tpu.dma_semaphore, #tpu.memory_space<semaphore_mem>>) src(%dma_wait3A_662 : memref<16x2048xf32, #tpu.memory_space<vmem_shared>>) dst(%dma_wait3A_658 : memref<16x2048xf32, #tpu.memory_space<hbm>>)
    %dma_wait3A_663 = arith.constant 3 : i32
    %dma_wait3A_664 = arith.constant 0 : i32
    %dma_wait3A_665 = tpu.memref_slice %arg3[%dma_wait3A_663, %add3A_570, %dma_wait3A_664] : memref<4x4096x2048xf32, #tpu.memory_space<hbm>> -> memref<1x16x2048xf32, #tpu.memory_space<hbm>>
    %dma_wait3A_666 = tpu.memref_squeeze %dma_wait3A_665 : memref<1x16x2048xf32, #tpu.memory_space<hbm>> -> memref<16x2048xf32, #tpu.memory_space<hbm>>
    %dma_wait3A_667 = arith.constant 0 : i32
    %dma_wait3A_668 = arith.constant 0 : i32
    %dma_wait3A_669 = tpu.memref_slice %arg7[%arg1, %dma_wait3A_667, %dma_wait3A_668] : memref<16x16x2048xf32, #tpu.memory_space<vmem_shared>> -> memref<1x16x2048xf32, #tpu.memory_space<vmem_shared>>
    %dma_wait3A_670 = tpu.memref_squeeze %dma_wait3A_669 : memref<1x16x2048xf32, #tpu.memory_space<vmem_shared>> -> memref<16x2048xf32, #tpu.memory_space<vmem_shared>>
    tpu.wait_dma2 semaphore(%arg11 : memref<!tpu.dma_semaphore, #tpu.memory_space<semaphore_mem>>) src(%dma_wait3A_670 : memref<16x2048xf32, #tpu.memory_space<vmem_shared>>) dst(%dma_wait3A_666 : memref<16x2048xf32, #tpu.memory_space<hbm>>)
    return
  }
}

</mosaic_0001>

<sc_bundles>
// kernel: kernel.3.cloned.1.call-start
scs
__scs_entry_jumppad:
0x0: {  	(pc) =	sbr.rel $0x88, $3  }
0x1: {  	(tag) =	ssettag $0x0;
	lr =	simm.s32 $0x1  }
0x2: {  	[smem:$0x3FA0] =	sst lr;
	_ =	strace $0xD0000000  }
0x3: {  	_ = 	snop  }
0x4: {  	_ = 	snop  }
0x5: {  	_ = 	snop  }
0x6: {  	_ = 	snop  }
0x7: {  	_ = 	snop  }
__scs_overlays_trampoline_lowered:
0x8: {  	[smem:$0x3FAF] =	sst s0  }
0x9: {  	[smem:$0x3FB0] =	sst s1  }
0xa: {  	[smem:$0x3FB1] =	sst s2  }
0xb: {  	[smem:$0x3FB2] =	sst s3  }
0xc: {  	[smem:$0x3FB3] =	sst s4  }
0xd: {  	[smem:$0x3FB4] =	sst s5  }
0xe: {  	[smem:$0x3FB5] =	sst s6  }
0xf: {  	[smem:$0x3FB6] =	sst s7  }
0x10: {  	[smem:$0x3FB7] =	sst s8  }
0x11: {  	[smem:$0x3FB8] =	sst s9;
	s0 =	simm.s32 @!p0 $0x0  }
0x12: {  	s1 =	sld [smem:$0x3F9E];
	s0 =	simm.s32 @p0 $0x1  }
0x13: {  	[smem:$0x3FB9] =	sst s0;
	s0 =	simm.s32 @!p1 $0x0  }
0x14: {  	s2 =	sld [smem:$0x3F9D];
	s0 =	simm.s32 @p1 $0x1  }
0x15: {  	[smem:$0x3FBA] =	sst s0;
	s0 =	simm.s32 @!p2 $0x0  }
0x16: {  	s3 =	sld [smem:$0x3FDB];
	s0 =	simm.s32 @p2 $0x1  }
0x17: {  	s4 =	simm.s32 $0x1BF5;
	[smem:$0x3FBC] =	sst s0  }
0x18: {  	s0 =	sld [smem:$0x3F9F];
	_ =	swait.ge [sflag:s4], $0x0  }
0x19: {  	s7 =	sld [smem:$0x3FA0]  }
0x1a: {  	s8 =	sadd.s32 $0xFFFFE003, lr  }
0x1b: {  	s9 =	sadd.s32 $0xFFFFFEF7, lr;
	s5 =	simm.s32 $0xFFFFFFFF;
	p2 =	slt.u32 s8, $0xFFFFF086  }
0x1c: {  	p1 =	slt.u32 s9, $0xF7A;
	s5 =	simm.s32 @!p2 $0x0  }
0x1d: {  	s5 =	simm.s32 @p1 $0x1;
	p0 =	seq.s32 s7, s2  }
0x1e: {  	s7 =	smul.u32 @!p0 $0xF7A, s2;
	p2 =	seq.s32 @!p0 s5, $0x0  }
0x1f: {  	s9 =	smul.u32 $0xF7A, s1;
	s8 =	simm.s32 @!p0 $0x1BF5;
	p2 =	por !p2, p0  }
0x20: {  	[sflag:s8] =	ssyncset.s32 @!p0 $0xFFFFF086;
	s6 =	sadd.s32 @!p0 s3, s7;
	s7 =	simm.s32 @!p0 $0x108  }
0x21: {  	s3 =	sadd.s32 s3, s9;
	s6 =	sadd.s32 @!p0 $0x88, s6;
	s7 =	simm.s32 @p2 $0x1082  }
0x22: {  	[simem:s7], [sflag:s8] =	dma.local @!p0 [hbm:s6], $0xF7A  }
0x23: {  	s9 =	sor.u32 $0xD0000000, s2;
	s6 =	simm.s32 $0x108;
	_ =	swait.ge @!p0 [sflag:s8], $0x0  }
0x24: {  	s3 =	sadd.s32 $0x88, s3;
	s6 =	simm.s32 @!p1 $0x1082;
	[sflag:s4] =	ssyncset.s32 $0xFFFFF086  }
0x25: {  	[simem:s6], [sflag:s4] =	dma.local [hbm:s3], $0xF7A  }
0x26: {  	[smem:$0x3FA0] =	sst s1;
	(tag) =	ssettag s2;
	_ =	strace s9  }
0x27: {  	s1 =	sld [smem:$0x3FB0]  }
0x28: {  	s2 =	sld [smem:$0x3FB1]  }
0x29: {  	s4 =	sld [smem:$0x3FB3]  }
0x2a: {  	p0 =	seq.s32 s5, $0x0;
	s5 =	sld [smem:$0x3FB4]  }
0x2b: {  	s6 =	sld [smem:$0x3FB5]  }
0x2c: {  	s7 =	sld [smem:$0x3FB6]  }
0x2d: {  	s3 =	simm.s32 $0x108;
	s8 =	sld [smem:$0x3FB7]  }
0x2e: {  	s3 =	simm.s32 @!p0 $0x1082;
	s9 =	sld [smem:$0x3FB8]  }
0x2f: {  	lr =	sadd.s32 s0, s3;
	s0 =	sld [smem:$0x3FAF]  }
0x30: {  	s3 =	sld [smem:$0x3FB2]  }
0x31: {  	[smem:$0x3FBB] =	sst s10  }
0x32: {  	s10 =	sld [smem:$0x3FB9];
	_ =	sdelay $0x3  }
0x33: {  	p0 =	seq.s32 s10, $0x1;
	s10 =	sld [smem:$0x3FBB];
	_ =	sdelay $0x3  }
0x34: {  	[smem:$0x3FBB] =	sst s10  }
0x35: {  	s10 =	sld [smem:$0x3FBA];
	_ =	sdelay $0x3  }
0x36: {  	p1 =	seq.s32 s10, $0x1;
	s10 =	sld [smem:$0x3FBB];
	_ =	sdelay $0x3  }
0x37: {  	[smem:$0x3FBB] =	sst s10  }
0x38: {  	s10 =	sld [smem:$0x3FBC]  }
0x39: {  	_ = 	snop;
	(pc) =	sbr.ind lr, $3  }
0x3a: {  	_ = 	snop  }
0x3b: {  	_ = 	snop  }
0x3c: {  	p2 =	seq.s32 s10, $0x1;
	s10 =	sld [smem:$0x3FBB]  }
0x3d: {  	_ =	shalt  }
0x3e: {  	_ =	shalt  }
0x3f: {  	_ =	shalt  }
0x40: {  	_ =	shalt  }
0x41: {  	_ =	shalt  }
0x42: {  	_ =	shalt  }
0x43: {  	_ =	shalt  }
0x44: {  	_ =	shalt  }
0x45: {  	_ =	shalt  }
0x46: {  	_ =	shalt  }
0x47: {  	_ =	shalt  }
0x48: {  	_ =	shalt  }
0x49: {  	_ =	shalt  }
0x4a: {  	_ =	shalt  }
0x4b: {  	_ =	shalt  }
0x4c: {  	_ =	shalt  }
0x4d: {  	_ =	shalt  }
0x4e: {  	_ =	shalt  }
0x4f: {  	_ =	shalt  }
0x50: {  	_ =	shalt  }
0x51: {  	_ =	shalt  }
0x52: {  	_ =	shalt  }
0x53: {  	_ =	shalt  }
0x54: {  	_ =	shalt  }
0x55: {  	_ =	shalt  }
0x56: {  	_ =	shalt  }
0x57: {  	_ =	shalt  }
0x58: {  	_ =	shalt  }
0x59: {  	_ =	shalt  }
0x5a: {  	_ =	shalt  }
0x5b: {  	_ =	shalt  }
0x5c: {  	_ =	shalt  }
0x5d: {  	_ =	shalt  }
0x5e: {  	_ =	shalt  }
0x5f: {  	_ =	shalt  }
0x60: {  	_ =	shalt  }
0x61: {  	_ =	shalt  }
0x62: {  	_ =	shalt  }
0x63: {  	_ =	shalt  }
0x64: {  	_ =	shalt  }
0x65: {  	_ =	shalt  }
0x66: {  	_ =	shalt  }
0x67: {  	_ =	shalt  }
0x68: {  	_ =	shalt  }
0x69: {  	_ =	shalt  }
0x6a: {  	_ =	shalt  }
0x6b: {  	_ =	shalt  }
0x6c: {  	_ =	shalt  }
0x6d: {  	_ =	shalt  }
0x6e: {  	_ =	shalt  }
0x6f: {  	_ =	shalt  }
0x70: {  	_ =	shalt  }
0x71: {  	_ =	shalt  }
0x72: {  	_ =	shalt  }
0x73: {  	_ =	shalt  }
0x74: {  	_ =	shalt  }
0x75: {  	_ =	shalt  }
0x76: {  	_ =	shalt  }
0x77: {  	_ =	shalt  }
0x78: {  	_ =	shalt  }
0x79: {  	_ =	shalt  }
0x7a: {  	_ =	shalt  }
0x7b: {  	_ =	shalt  }
0x7c: {  	_ =	shalt  }
0x7d: {  	_ =	shalt  }
0x7e: {  	_ =	shalt  }
0x7f: {  	_ =	shalt  }
0x80: {  	_ =	shalt  }
0x81: {  	_ =	shalt  }
0x82: {  	_ =	shalt  }
0x83: {  	_ =	shalt  }
0x84: {  	_ =	shalt  }
0x85: {  	_ =	shalt  }
0x86: {  	_ =	shalt  }
0x87: {  	_ =	shalt  }
.Lfunc_end0:
.L_simem_size_0:
called_computation_lowered:
.L_overlay_start_0:
0x88: {  	s2 =	sld [smem:$0x3FD9]  }
0x89: {  	s3 =	sld [smem:$0x3FFE];
	_ =	sdelay $0x1  }
0x8a: {  	s1 =	srdreg.scid  }
0x8b: {  	s0 =	sand.u32 $0x1, s1  }
0x8c: {  	s18 =	sshll.u32 s0, $0xA;
	s2 =	sadd.s32 s3, s2  }
0x8d: {  	s2 =	sadd.s32 s2, s18  }
0x8e: {  	[smem:$0x3FC7] =	sst s2  }
0x8f: {  	_ = 	snop  }
0x90: {  	s2 =	sld [smem:$0x3FC9]  }
0x91: {  	s19 =	sld [smem:$0x3FD0];
	(tm) =	ssettm $0x1  }
0x92: {  	s4 =	sld [smem:$0x3FFB];
	_ =	sdelay $0x3  }
0x93: {  	_ =	strace s4  }
0x94: {  	s4 =	sld [smem:$0x3FFC];
	_ =	sdelay $0x3  }
0x95: {  	_ =	strace s4  }
0x96: {  	s4 =	sld [smem:$0x3FFD];
	_ =	sdelay $0x3  }
0x97: {  	_ =	strace s4  }
0x98: {  	_ =	strace $0x8FFFFFFF  }
0x99: {  	s20 =	sld [smem:$0x3FDB];
	_ =	sdelay $0x1  }
0x9a: {  	s5 =	simm.s32 $_scs_section_size  }
0x9b: {  	s6 =	simm.s32 $_size__tile_overlayer_lowered;
	s7 =	simm.s32 $_tile_overlayer_lowered  }
0x9c: {  	s23 =	simm.s32 $0x1BFF;
	s22 =	sshll.u32 s7, $0x1;
	s4 =	sadd.s32 s5, s20  }
0x9d: {  	s8 =	simm.s32 $0x0;
	s21 =	sshll.u32 s6, $0x1;
	s6 =	sadd.s32 s22, s4  }
0x9e: {  	[timem:s8], [sflag:s23] =	dma.local [hbm:s6], s21  }
0x9f: {  	_ =	swait.ge [sflag:s23], s21  }
0xa0: {  	s5 =	ssub.s32 $0x0, s21;
	[sflag:s23] =	ssyncset.done $0x0  }
0xa1: {  	[sflag:s23] =	ssyncadd.s32 s5;
	_ =	sdelay $0x1  }
0xa2: {  	s24 =	simm.s32 $0x1B8B  }
0xa3: {  	_ =	swait.ge [sflag:s24], $0x1  }
0xa4: {  	[sflag:s24] =	ssyncset.done $0x0  }
0xa5: {  	s25 =	simm.s32 $0x1B8E;
	[sflag:s24] =	ssyncadd.s32 $0xFFFFFFFF  }
0xa6: {  	s26 =	simm.s32 $execute0_lowered;
	[smem:$0x3FD2] =	sst s25  }
0xa7: {  	s5 =	sshll.u32 s26, $0x1;
	_ =	strace $0x80000046;
	[dreg:$0x1] =	wrdreg $0xFFFFFFFF  }
0xa8: {  	s28 =	simm.s32 $_size_execute0_lowered;
	s4 =	sadd.s32 s4, s5;
	[dreg:$0x0] =	wrdreg $0x0  }
0xa9: {  	s5 =	sshll.u32 s28, $0x1;
	[dreg:$0x2] =	wrdreg s4  }
0xaa: {  	[dreg:$0x3] =	wrdreg s5  }
0xab: {  	[dreg:$0x4] =	wrdreg $0xC0  }
0xac: {  	_ =	task [dreg:s8], $0x5FFFF  }
0xad: {  	[dreg:$0x1] =	wrdreg $0xFFFFFFFF  }
0xae: {  	[dreg:$0x0] =	wrdreg $0x60  }
0xaf: {  	[dreg:$0x2] =	wrdreg s2  }
0xb0: {  	[dreg:$0x3] =	wrdreg s19  }
0xb1: {  	[dreg:$0x4] =	wrdreg $0x100000  }
0xb2: {  	[dreg:$0x5] =	wrdreg $0x180000  }
0xb3: {  	[dreg:$0x6] =	wrdreg $0x9  }
0xb4: {  	_ =	task.clear_ibuf [dreg:s8], $0x7FFFF;
	_ =	strace $0x90000046  }
0xb5: {  	s29 =	simm.s32 $0x9;
	_ =	strace $0x80000048  }
0xb6: {  	_ =	swait.ge [sflag:s29], $0x1  }
0xb7: {  	[sflag:s29] =	ssyncadd.s32 $0xFFFFFFFF  }
0xb8: {  	_ =	strace $0x90000048  }
0xb9: {  	_ =	sfence  }
0xba: {  	s30 =	sld [smem:$0x0];
	_ =	sdelay $0x2  }
0xbb: {  	s31 =	sshll.u32 s1, $0xD;
	s1 =	sshrl.u32 s1, $0x2  }
0xbc: {  	s3 =	sand.u32 $0x4000, s31;
	s1 =	sadd.s32 s1, s30  }
0xbd: {  	s0 =	sor.u32 s3, s0;
	s1 =	sshll.u32 s1, $0x11  }
0xbe: {  	s0 =	sor.u32 s1, s0  }
0xbf: {  	s0 =	sadd.s32 $0x8F2B, s0  }
0xc0: {  	[sflag:s0] =	ssyncadd.remote.s32 $0x1  }
0xc1: {  	_ =	sfence.sel $0xFFFF  }
0xc2: {  	[dreg:$0x0] =	wrdreg $0xFFFFFFFF;
	(pc) =	sbr.abs _section_cstart, $3  }
0xc3: {  	[dreg:$0x1] =	wrdreg $0xFFFFFFFF  }
0xc4: {  	_ =	task.clear_ibuf [dreg:s8], $0x2FFFF;
	_ =	strace $0x9FFFFFFF  }
0xc5: {  	(tm) =	ssettm $0x7FFFFFFF  }
tec
execute0_lowered:
.L_overlay_start_1:
0x0: {  	(tag) =	ssettag $0x1  }
0x1: {  	s21 =	rddreg [dreg:$0x0];
	s1 =	srdreg.scid  }
0x2: {  	s26 =	rddreg [dreg:$0x1];
	s0 =	stileid.u32;
	s31 =	sand.u32 $0x1, s1  }
0x3: {  	s5 =	rddreg [dreg:$0x2];
	s3 =	sshll.u32 s0, $0x10;
	s4 =	sshll.u32 s31, $0xF  }
0x4: {  	s7 =	rddreg [dreg:$0x3];
	s2 =	simm.s32 $0x0;
	s22 =	sor.u32 s4, s3  }
0x5: {  	[smem:$0x7FF] =	sst s2;
	s3 =	sadd.s32 s26, s22  }
0x6: {  	_ =	strace $0x80000047;
	s4 =	sadd.s32 s21, s22;
	s6 =	sadd.s32 $0x100000, s3  }
0x7: {  	[tilespmem:s2], [sflag:$0x1] =	stream.linear.gather [hbm4b:s4+s2], $0x8000, $0x38;
	v63 =	vld [tilespmem:$0x0]  }
0x8: {  	s8 =	sadd.s32 $0x200000, s3;
	[dreg:$0x5] =	wrdreg s6  }
0x9: {  	s9 =	sadd.s32 $0x300000, s3;
	[dreg:$0x6] =	wrdreg s8  }
0xa: {  	s11 =	sadd.s32 $0x101000, s3;
	[dreg:$0x7] =	wrdreg s9  }
0xb: {  	s12 =	sadd.s32 $0x201000, s3;
	[dreg:$0x9] =	wrdreg s11  }
0xc: {  	s14 =	sor.u32 $0x2000, s22;
	s13 =	sadd.s32 $0x301000, s3;
	[dreg:$0xa] =	wrdreg s12  }
0xd: {  	s15 =	sadd.s32 s26, s14;
	[dreg:$0xb] =	wrdreg s13  }
0xe: {  	s16 =	sadd.s32 $0x102000, s3;
	[dreg:$0xc] =	wrdreg s15  }
0xf: {  	s17 =	sadd.s32 $0x202000, s3;
	[dreg:$0xd] =	wrdreg s16  }
0x10: {  	s18 =	sadd.s32 $0x302000, s3;
	[dreg:$0xe] =	wrdreg s17  }
0x11: {  	s20 =	sadd.s32 $0x103000, s3;
	[dreg:$0xf] =	wrdreg s18  }
0x12: {  	s23 =	sadd.s32 $0x203000, s3;
	[dreg:$0x11] =	wrdreg s20  }
0x13: {  	s25 =	sadd.s32 $0x104000, s3;
	[dreg:$0x12] =	wrdreg s23  }
0x14: {  	s1 =	sadd.s32 $0x204000, s3;
	s6 =	sor.u32 $0x1000, s22;
	[dreg:$0x15] =	wrdreg s25  }
0x15: {  	s16 =	sor.u32 $0x3000, s22;
	s8 =	sadd.s32 $0x303000, s3;
	[dreg:$0x16] =	wrdreg s1  }
0x16: {  	s17 =	sor.u32 $0x4000, s22;
	s13 =	sadd.s32 $0x105000, s3;
	[dreg:$0x13] =	wrdreg s8  }
0x17: {  	s9 =	sshll.u32 s0, $0xF;
	s15 =	sadd.s32 $0x205000, s3;
	[dreg:$0x19] =	wrdreg s13  }
0x18: {  	s18 =	sor.u32 $0x5000, s22;
	s10 =	sadd.s32 s26, s6;
	[dreg:$0x1a] =	wrdreg s15  }
0x19: {  	s12 =	sshll.u32 s0, $0x6;
	s19 =	sadd.s32 s26, s16;
	[dreg:$0x8] =	wrdreg s10  }
0x1a: {  	s24 =	sadd.s32 s26, s17;
	s8 =	sadd.s32 $0x304000, s3;
	[dreg:$0x10] =	wrdreg s19  }
0x1b: {  	s11 =	sadd.s32 s26, s18;
	s6 =	sadd.s32 s21, s6;
	[dreg:$0x14] =	wrdreg s24  }
0x1c: {  	s10 =	sadd.s32 s9, s5;
	[dreg:$0x17] =	wrdreg s8;
	s5 =	sor.u32 $0x1C03, s12  }
0x1d: {  	[dreg:$0x18] =	wrdreg s11;
	s9 =	sadd.s32 s9, s7;
	s8 =	simm.s32 $0x8000  }
0x1e: {  	s7 =	sshrl.u32 s10, $0x3;
	s9 =	sshrl.u32 s9, $0x3;
	s10 =	simm.s32 $0x1  }
0x1f: {  	[spmem:s7], [sflag:s5] =	dma.local [hbm:s4], $0x1000  }
0x20: {  	[tilespmem:s8], [sflag:$0x1] =	stream.linear.gather [hbm4b:s6+s2], $0x8000, $0x38;
	v63 =	vld [tilespmem:$0x0]  }
0x21: {  	[spmem:s9], [sflag:s5] =	dma.local [hbm:s6], $0x1000  }
0x22: {  	_ =	swait.ge [sflag:s10], $0x8000  }
0x23: {  	[sflag:s10] =	ssyncset.done $0x0  }
0x24: {  	[sflag:s10] =	ssyncadd.s32 $0xFFFF8000  }
0x25: {  	[hbm4b:s3+s2] =	stream.linear.scatter [tilespmem:s2], [sflag:$0x2], $0x8000, $0x38;
	v63 =	vld [tilespmem:$0x0]  }
0x26: {  	s11 =	simm.s32 $0x3;
	s13 =	rddreg [dreg:$0x5]  }
0x27: {  	[hbm4b:s13+s2] =	stream.linear.scatter [tilespmem:s2], [sflag:$0x2], $0x8000, $0x38;
	v63 =	vld [tilespmem:$0x0]  }
0x28: {  	_ =	swait.ge [sflag:s11], $0x1000  }
0x29: {  	[sflag:s11] =	ssyncset.done $0x0  }
0x2a: {  	s12 =	sor.u32 $0x1C04, s12;
	s19 =	rddreg [dreg:$0x6];
	[sflag:s11] =	ssyncadd.s32 $0xFFFFF000  }
0x2b: {  	[hbm:s19], [sflag:s12] =	dma.local [spmem:s7], $0x1000  }
0x2c: {  	s13 =	simm.s32 $0x2;
	s15 =	rddreg [dreg:$0x7]  }
0x2d: {  	[hbm:s15], [sflag:s12] =	dma.local [spmem:s7], $0x1000  }
0x2e: {  	_ =	swait.ge [sflag:s13], $0x8000  }
0x2f: {  	[sflag:s13] =	ssyncset.done $0x0  }
0x30: {  	[sflag:s13] =	ssyncadd.s32 $0xFFFF8000  }
0x31: {  	_ =	swait.ge [sflag:s13], $0x8000  }
0x32: {  	[sflag:s13] =	ssyncset.done $0x0  }
0x33: {  	s15 =	sadd.s32 s21, s14;
	s14 =	simm.s32 $0x4;
	[sflag:s13] =	ssyncadd.s32 $0xFFFF8000  }
0x34: {  	[tilespmem:s2], [sflag:$0x1] =	stream.linear.gather [hbm4b:s15+s2], $0x8000, $0x38;
	v63 =	vld [tilespmem:$0x0]  }
0x35: {  	_ =	swait.ge [sflag:s14], $0x1000  }
0x36: {  	[sflag:s14] =	ssyncset.done $0x0  }
0x37: {  	[sflag:s14] =	ssyncadd.s32 $0xFFFFF000  }
0x38: {  	_ =	swait.ge [sflag:s14], $0x1000  }
0x39: {  	[sflag:s14] =	ssyncset.done $0x0  }
0x3a: {  	[sflag:s14] =	ssyncadd.s32 $0xFFFFF000  }
0x3b: {  	[spmem:s7], [sflag:s5] =	dma.local [hbm:s15], $0x1000  }
0x3c: {  	_ =	swait.ge [sflag:s10], $0x8000  }
0x3d: {  	[sflag:s10] =	ssyncset.done $0x0  }
0x3e: {  	s19 =	rddreg [dreg:$0x8];
	[sflag:s10] =	ssyncadd.s32 $0xFFFF8000  }
0x3f: {  	[hbm4b:s19+s2] =	stream.linear.scatter [tilespmem:s8], [sflag:$0x2], $0x8000, $0x38;
	v63 =	vld [tilespmem:$0x0]  }
0x40: {  	s20 =	rddreg [dreg:$0x9]  }
0x41: {  	[hbm4b:s20+s2] =	stream.linear.scatter [tilespmem:s8], [sflag:$0x2], $0x8000, $0x38;
	v63 =	vld [tilespmem:$0x0]  }
0x42: {  	_ =	swait.ge [sflag:s11], $0x1000  }
0x43: {  	[sflag:s11] =	ssyncset.done $0x0  }
0x44: {  	s20 =	rddreg [dreg:$0xa];
	[sflag:s11] =	ssyncadd.s32 $0xFFFFF000  }
0x45: {  	[hbm:s20], [sflag:s12] =	dma.local [spmem:s9], $0x1000  }
0x46: {  	s19 =	rddreg [dreg:$0xb]  }
0x47: {  	[hbm:s19], [sflag:s12] =	dma.local [spmem:s9], $0x1000  }
0x48: {  	_ =	swait.ge [sflag:s13], $0x8000  }
0x49: {  	[sflag:s13] =	ssyncset.done $0x0  }
0x4a: {  	[sflag:s13] =	ssyncadd.s32 $0xFFFF8000  }
0x4b: {  	_ =	swait.ge [sflag:s13], $0x8000  }
0x4c: {  	[sflag:s13] =	ssyncset.done $0x0  }
0x4d: {  	s16 =	sadd.s32 s21, s16;
	[sflag:s13] =	ssyncadd.s32 $0xFFFF8000  }
0x4e: {  	[tilespmem:s8], [sflag:$0x1] =	stream.linear.gather [hbm4b:s16+s2], $0x8000, $0x38;
	v63 =	vld [tilespmem:$0x0]  }
0x4f: {  	_ =	swait.ge [sflag:s14], $0x1000  }
0x50: {  	[sflag:s14] =	ssyncset.done $0x0  }
0x51: {  	[sflag:s14] =	ssyncadd.s32 $0xFFFFF000  }
0x52: {  	_ =	swait.ge [sflag:s14], $0x1000  }
0x53: {  	[sflag:s14] =	ssyncset.done $0x0  }
0x54: {  	[sflag:s14] =	ssyncadd.s32 $0xFFFFF000  }
0x55: {  	[spmem:s9], [sflag:s5] =	dma.local [hbm:s16], $0x1000  }
0x56: {  	_ =	swait.ge [sflag:s10], $0x8000  }
0x57: {  	[sflag:s10] =	ssyncset.done $0x0  }
0x58: {  	s23 =	rddreg [dreg:$0xc];
	[sflag:s10] =	ssyncadd.s32 $0xFFFF8000  }
0x59: {  	[hbm4b:s23+s2] =	stream.linear.scatter [tilespmem:s2], [sflag:$0x2], $0x8000, $0x38;
	v63 =	vld [tilespmem:$0x0]  }
0x5a: {  	s24 =	rddreg [dreg:$0xd]  }
0x5b: {  	[hbm4b:s24+s2] =	stream.linear.scatter [tilespmem:s2], [sflag:$0x2], $0x8000, $0x38;
	v63 =	vld [tilespmem:$0x0]  }
0x5c: {  	_ =	swait.ge [sflag:s11], $0x1000  }
0x5d: {  	[sflag:s11] =	ssyncset.done $0x0  }
0x5e: {  	s25 =	rddreg [dreg:$0xe];
	[sflag:s11] =	ssyncadd.s32 $0xFFFFF000  }
0x5f: {  	[hbm:s25], [sflag:s12] =	dma.local [spmem:s7], $0x1000  }
0x60: {  	s19 =	rddreg [dreg:$0xf]  }
0x61: {  	[hbm:s19], [sflag:s12] =	dma.local [spmem:s7], $0x1000  }
0x62: {  	_ =	swait.ge [sflag:s13], $0x8000  }
0x63: {  	[sflag:s13] =	ssyncset.done $0x0  }
0x64: {  	[sflag:s13] =	ssyncadd.s32 $0xFFFF8000  }
0x65: {  	_ =	swait.ge [sflag:s13], $0x8000  }
0x66: {  	[sflag:s13] =	ssyncset.done $0x0  }
0x67: {  	s17 =	sadd.s32 s21, s17;
	[sflag:s13] =	ssyncadd.s32 $0xFFFF8000  }
0x68: {  	[tilespmem:s2], [sflag:$0x1] =	stream.linear.gather [hbm4b:s17+s2], $0x8000, $0x38;
	v63 =	vld [tilespmem:$0x0]  }
0x69: {  	_ =	swait.ge [sflag:s14], $0x1000  }
0x6a: {  	[sflag:s14] =	ssyncset.done $0x0  }
0x6b: {  	[sflag:s14] =	ssyncadd.s32 $0xFFFFF000  }
0x6c: {  	_ =	swait.ge [sflag:s14], $0x1000  }
0x6d: {  	[sflag:s14] =	ssyncset.done $0x0  }
0x6e: {  	[sflag:s14] =	ssyncadd.s32 $0xFFFFF000  }
0x6f: {  	[spmem:s7], [sflag:s5] =	dma.local [hbm:s17], $0x1000  }
0x70: {  	_ =	swait.ge [sflag:s10], $0x8000  }
0x71: {  	[sflag:s10] =	ssyncset.done $0x0  }
0x72: {  	s0 =	rddreg [dreg:$0x10];
	[sflag:s10] =	ssyncadd.s32 $0xFFFF8000  }
0x73: {  	[hbm4b:s0+s2] =	stream.linear.scatter [tilespmem:s8], [sflag:$0x2], $0x8000, $0x38;
	v63 =	vld [tilespmem:$0x0]  }
0x74: {  	s1 =	rddreg [dreg:$0x11]  }
0x75: {  	[hbm4b:s1+s2] =	stream.linear.scatter [tilespmem:s8], [sflag:$0x2], $0x8000, $0x38;
	v63 =	vld [tilespmem:$0x0]  }
0x76: {  	_ =	swait.ge [sflag:s11], $0x1000  }
0x77: {  	[sflag:s11] =	ssyncset.done $0x0  }
0x78: {  	s23 =	rddreg [dreg:$0x12];
	[sflag:s11] =	ssyncadd.s32 $0xFFFFF000  }
0x79: {  	[hbm:s23], [sflag:s12] =	dma.local [spmem:s9], $0x1000  }
0x7a: {  	s19 =	rddreg [dreg:$0x13]  }
0x7b: {  	[hbm:s19], [sflag:s12] =	dma.local [spmem:s9], $0x1000  }
0x7c: {  	_ =	swait.ge [sflag:s13], $0x8000  }
0x7d: {  	[sflag:s13] =	ssyncset.done $0x0  }
0x7e: {  	[sflag:s13] =	ssyncadd.s32 $0xFFFF8000  }
0x7f: {  	_ =	swait.ge [sflag:s13], $0x8000  }
0x80: {  	[sflag:s13] =	ssyncset.done $0x0  }
0x81: {  	s18 =	sadd.s32 s21, s18;
	[sflag:s13] =	ssyncadd.s32 $0xFFFF8000  }
0x82: {  	[tilespmem:s8], [sflag:$0x1] =	stream.linear.gather [hbm4b:s18+s2], $0x8000, $0x38;
	v63 =	vld [tilespmem:$0x0]  }
0x83: {  	_ =	swait.ge [sflag:s14], $0x1000  }
0x84: {  	[sflag:s14] =	ssyncset.done $0x0  }
0x85: {  	[sflag:s14] =	ssyncadd.s32 $0xFFFFF000  }
0x86: {  	_ =	swait.ge [sflag:s14], $0x1000  }
0x87: {  	[sflag:s14] =	ssyncset.done $0x0  }
0x88: {  	[sflag:s14] =	ssyncadd.s32 $0xFFFFF000  }
0x89: {  	[spmem:s9], [sflag:s5] =	dma.local [hbm:s18], $0x1000  }
0x8a: {  	_ =	swait.ge [sflag:s10], $0x8000  }
0x8b: {  	[sflag:s10] =	ssyncset.done $0x0  }
0x8c: {  	s24 =	rddreg [dreg:$0x14];
	[sflag:s10] =	ssyncadd.s32 $0xFFFF8000  }
0x8d: {  	[hbm4b:s24+s2] =	stream.linear.scatter [tilespmem:s2], [sflag:$0x2], $0x8000, $0x38;
	v63 =	vld [tilespmem:$0x0]  }
0x8e: {  	s25 =	rddreg [dreg:$0x15]  }
0x8f: {  	[hbm4b:s25+s2] =	stream.linear.scatter [tilespmem:s2], [sflag:$0x2], $0x8000, $0x38;
	v63 =	vld [tilespmem:$0x0]  }
0x90: {  	_ =	swait.ge [sflag:s11], $0x1000  }
0x91: {  	[sflag:s11] =	ssyncset.done $0x0  }
0x92: {  	s0 =	rddreg [dreg:$0x16];
	[sflag:s11] =	ssyncadd.s32 $0xFFFFF000  }
0x93: {  	[hbm:s0], [sflag:s12] =	dma.local [spmem:s7], $0x1000  }
0x94: {  	s19 =	rddreg [dreg:$0x17]  }
0x95: {  	[hbm:s19], [sflag:s12] =	dma.local [spmem:s7], $0x1000  }
0x96: {  	_ =	swait.ge [sflag:s13], $0x8000  }
0x97: {  	[sflag:s13] =	ssyncset.done $0x0  }
0x98: {  	[sflag:s13] =	ssyncadd.s32 $0xFFFF8000  }
0x99: {  	_ =	swait.ge [sflag:s13], $0x8000  }
0x9a: {  	s23 =	sor.u32 $0x6000, s22;
	[sflag:s13] =	ssyncset.done $0x0  }
0x9b: {  	s19 =	sadd.s32 s21, s23;
	[sflag:s13] =	ssyncadd.s32 $0xFFFF8000  }
0x9c: {  	[tilespmem:s2], [sflag:$0x1] =	stream.linear.gather [hbm4b:s19+s2], $0x8000, $0x38;
	v63 =	vld [tilespmem:$0x0]  }
0x9d: {  	_ =	swait.ge [sflag:s14], $0x1000  }
0x9e: {  	[sflag:s14] =	ssyncset.done $0x0  }
0x9f: {  	[sflag:s14] =	ssyncadd.s32 $0xFFFFF000  }
0xa0: {  	_ =	swait.ge [sflag:s14], $0x1000  }
0xa1: {  	[sflag:s14] =	ssyncset.done $0x0  }
0xa2: {  	[sflag:s14] =	ssyncadd.s32 $0xFFFFF000  }
0xa3: {  	[spmem:s7], [sflag:s5] =	dma.local [hbm:s19], $0x1000  }
0xa4: {  	_ =	swait.ge [sflag:s10], $0x8000  }
0xa5: {  	[sflag:s10] =	ssyncset.done $0x0  }
0xa6: {  	s1 =	rddreg [dreg:$0x18];
	[sflag:s10] =	ssyncadd.s32 $0xFFFF8000  }
0xa7: {  	[hbm4b:s1+s2] =	stream.linear.scatter [tilespmem:s8], [sflag:$0x2], $0x8000, $0x38;
	v63 =	vld [tilespmem:$0x0]  }
0xa8: {  	s24 =	rddreg [dreg:$0x19]  }
0xa9: {  	[hbm4b:s24+s2] =	stream.linear.scatter [tilespmem:s8], [sflag:$0x2], $0x8000, $0x38;
	v63 =	vld [tilespmem:$0x0]  }
0xaa: {  	_ =	swait.ge [sflag:s11], $0x1000  }
0xab: {  	[sflag:s11] =	ssyncset.done $0x0  }
0xac: {  	s20 =	sadd.s32 $0x305000, s3;
	s25 =	rddreg [dreg:$0x1a];
	[sflag:s11] =	ssyncadd.s32 $0xFFFFF000  }
0xad: {  	[hbm:s25], [sflag:s12] =	dma.local [spmem:s9], $0x1000  }
0xae: {  	[hbm:s20], [sflag:s12] =	dma.local [spmem:s9], $0x1000  }
0xaf: {  	_ =	swait.ge [sflag:s13], $0x8000  }
0xb0: {  	[sflag:s13] =	ssyncset.done $0x0  }
0xb1: {  	[sflag:s13] =	ssyncadd.s32 $0xFFFF8000  }
0xb2: {  	_ =	swait.ge [sflag:s13], $0x8000  }
0xb3: {  	s28 =	sor.u32 $0x7000, s22;
	[sflag:s13] =	ssyncset.done $0x0  }
0xb4: {  	s21 =	sadd.s32 s21, s28;
	[sflag:s13] =	ssyncadd.s32 $0xFFFF8000  }
0xb5: {  	[tilespmem:s8], [sflag:$0x1] =	stream.linear.gather [hbm4b:s21+s2], $0x8000, $0x38;
	v63 =	vld [tilespmem:$0x0]  }
0xb6: {  	_ =	swait.ge [sflag:s14], $0x1000  }
0xb7: {  	[sflag:s14] =	ssyncset.done $0x0  }
0xb8: {  	[sflag:s14] =	ssyncadd.s32 $0xFFFFF000  }
0xb9: {  	_ =	swait.ge [sflag:s14], $0x1000  }
0xba: {  	[sflag:s14] =	ssyncset.done $0x0  }
0xbb: {  	[sflag:s14] =	ssyncadd.s32 $0xFFFFF000  }
0xbc: {  	[spmem:s9], [sflag:s5] =	dma.local [hbm:s21], $0x1000  }
0xbd: {  	_ =	swait.ge [sflag:s10], $0x8000  }
0xbe: {  	[sflag:s10] =	ssyncset.done $0x0  }
0xbf: {  	s22 =	sadd.s32 s26, s23;
	[sflag:s10] =	ssyncadd.s32 $0xFFFF8000  }
0xc0: {  	[hbm4b:s22+s2] =	stream.linear.scatter [tilespmem:s2], [sflag:$0x2], $0x8000, $0x38;
	v63 =	vld [tilespmem:$0x0]  }
0xc1: {  	s23 =	sadd.s32 $0x106000, s3  }
0xc2: {  	[hbm4b:s23+s2] =	stream.linear.scatter [tilespmem:s2], [sflag:$0x2], $0x8000, $0x38;
	v63 =	vld [tilespmem:$0x0]  }
0xc3: {  	_ =	swait.ge [sflag:s11], $0x1000  }
0xc4: {  	[sflag:s11] =	ssyncset.done $0x0  }
0xc5: {  	s24 =	sadd.s32 $0x206000, s3;
	s25 =	sadd.s32 $0x306000, s3;
	[sflag:s11] =	ssyncadd.s32 $0xFFFFF000  }
0xc6: {  	[hbm:s24], [sflag:s12] =	dma.local [spmem:s7], $0x1000  }
0xc7: {  	[hbm:s25], [sflag:s12] =	dma.local [spmem:s7], $0x1000  }
0xc8: {  	_ =	swait.ge [sflag:s10], $0x8000  }
0xc9: {  	[sflag:s10] =	ssyncset.done $0x0  }
0xca: {  	s26 =	sadd.s32 s26, s28;
	[sflag:s10] =	ssyncadd.s32 $0xFFFF8000  }
0xcb: {  	[hbm4b:s26+s2] =	stream.linear.scatter [tilespmem:s8], [sflag:$0x2], $0x8000, $0x38;
	v63 =	vld [tilespmem:$0x0]  }
0xcc: {  	s28 =	sadd.s32 $0x107000, s3  }
0xcd: {  	[hbm4b:s28+s2] =	stream.linear.scatter [tilespmem:s8], [sflag:$0x2], $0x8000, $0x38;
	v63 =	vld [tilespmem:$0x0]  }
0xce: {  	_ =	swait.ge [sflag:s11], $0x1000  }
0xcf: {  	[sflag:s11] =	ssyncset.done $0x0  }
0xd0: {  	s29 =	sadd.s32 $0x207000, s3;
	s30 =	sadd.s32 $0x307000, s3;
	[sflag:s11] =	ssyncadd.s32 $0xFFFFF000  }
0xd1: {  	[hbm:s29], [sflag:s12] =	dma.local [spmem:s9], $0x1000  }
0xd2: {  	[hbm:s30], [sflag:s12] =	dma.local [spmem:s9], $0x1000  }
0xd3: {  	_ =	swait.ge [sflag:s13], $0x8000  }
0xd4: {  	[sflag:s13] =	ssyncset.done $0x0  }
0xd5: {  	[sflag:s13] =	ssyncadd.s32 $0xFFFF8000  }
0xd6: {  	_ =	swait.ge [sflag:s13], $0x8000  }
0xd7: {  	[sflag:s13] =	ssyncset.done $0x0  }
0xd8: {  	[sflag:s13] =	ssyncadd.s32 $0xFFFF8000  }
0xd9: {  	_ =	swait.ge [sflag:s13], $0x8000  }
0xda: {  	[sflag:s13] =	ssyncset.done $0x0  }
0xdb: {  	[sflag:s13] =	ssyncadd.s32 $0xFFFF8000  }
0xdc: {  	_ =	swait.ge [sflag:s13], $0x8000  }
0xdd: {  	[sflag:s13] =	ssyncset.done $0x0  }
0xde: {  	[sflag:s13] =	ssyncadd.s32 $0xFFFF8000  }
0xdf: {  	_ =	swait.ge [sflag:s14], $0x1000  }
0xe0: {  	s31 =	ssub.s32 $0x2, s31;
	[sflag:s14] =	ssyncset.done $0x0  }
0xe1: {  	s0 =	sshrl.u32 s31, $0x1;
	[sflag:s14] =	ssyncadd.s32 $0xFFFFF000  }
0xe2: {  	s1 =	ssub.s32 s31, s0;
	_ =	swait.ge [sflag:s14], $0x1000  }
0xe3: {  	s1 =	smax.u32 s1, $0x1;
	[sflag:s14] =	ssyncset.done $0x0  }
0xe4: {  	p0 =	sne.s32 s1, $0x1;
	[sflag:s14] =	ssyncadd.s32 $0xFFFFF000  }
.Ltmp0:
0xe5: {  	_ =	swait.ge [sflag:s14], $0x1000;
	(pc) =	sbr.rel @!p0 .LBB2_2-.Ltmp0, $4  }
0xe6: {  	[sflag:s14] =	ssyncset.done $0x0  }
0xe7: {  	[sflag:s14] =	ssyncadd.s32 $0xFFFFF000  }
0xe8: {  	_ =	swait.ge [sflag:s14], $0x1000  }
0xe9: {  	s31 =	sadd.s32 $0xFFFFFFFF, s1;
	[sflag:s14] =	ssyncset.done $0x0  }
.LBB2_1:
0xea: {  	[sflag:s14] =	ssyncadd.s32 $0xFFFFF000  }
0xeb: {  	[tilespmem:s2], [sflag:$0x1] =	stream.linear.gather [hbm4b:s4+s2], $0x8000, $0x38;
	v63 =	vld [tilespmem:$0x0]  }
0xec: {  	[spmem:s7], [sflag:s5] =	dma.local [hbm:s4], $0x1000  }
0xed: {  	[tilespmem:s8], [sflag:$0x1] =	stream.linear.gather [hbm4b:s6+s2], $0x8000, $0x38;
	v63 =	vld [tilespmem:$0x0]  }
0xee: {  	[spmem:s9], [sflag:s5] =	dma.local [hbm:s6], $0x1000  }
0xef: {  	_ =	swait.ge [sflag:s10], $0x8000  }
0xf0: {  	[sflag:s10] =	ssyncset.done $0x0  }
0xf1: {  	[sflag:s10] =	ssyncadd.s32 $0xFFFF8000  }
0xf2: {  	[hbm4b:s3+s2] =	stream.linear.scatter [tilespmem:s2], [sflag:$0x2], $0x8000, $0x38;
	v63 =	vld [tilespmem:$0x0]  }
0xf3: {  	s1 =	rddreg [dreg:$0x5]  }
0xf4: {  	[hbm4b:s1+s2] =	stream.linear.scatter [tilespmem:s2], [sflag:$0x2], $0x8000, $0x38;
	v63 =	vld [tilespmem:$0x0]  }
0xf5: {  	_ =	swait.ge [sflag:s11], $0x1000  }
0xf6: {  	[sflag:s11] =	ssyncset.done $0x0  }
0xf7: {  	s0 =	rddreg [dreg:$0x6];
	[sflag:s11] =	ssyncadd.s32 $0xFFFFF000  }
0xf8: {  	[hbm:s0], [sflag:s12] =	dma.local [spmem:s7], $0x1000  }
0xf9: {  	s1 =	rddreg [dreg:$0x7]  }
0xfa: {  	[hbm:s1], [sflag:s12] =	dma.local [spmem:s7], $0x1000  }
0xfb: {  	_ =	swait.ge [sflag:s13], $0x8000  }
0xfc: {  	[sflag:s13] =	ssyncset.done $0x0  }
0xfd: {  	[sflag:s13] =	ssyncadd.s32 $0xFFFF8000  }
0xfe: {  	_ =	swait.ge [sflag:s13], $0x8000  }
0xff: {  	[sflag:s13] =	ssyncset.done $0x0  }
0x100: {  	[sflag:s13] =	ssyncadd.s32 $0xFFFF8000  }
0x101: {  	[tilespmem:s2], [sflag:$0x1] =	stream.linear.gather [hbm4b:s15+s2], $0x8000, $0x38;
	v63 =	vld [tilespmem:$0x0]  }
0x102: {  	_ =	swait.ge [sflag:s14], $0x1000  }
0x103: {  	[sflag:s14] =	ssyncset.done $0x0  }
0x104: {  	[sflag:s14] =	ssyncadd.s32 $0xFFFFF000  }
0x105: {  	_ =	swait.ge [sflag:s14], $0x1000  }
0x106: {  	[sflag:s14] =	ssyncset.done $0x0  }
0x107: {  	[sflag:s14] =	ssyncadd.s32 $0xFFFFF000  }
0x108: {  	[spmem:s7], [sflag:s5] =	dma.local [hbm:s15], $0x1000  }
0x109: {  	_ =	swait.ge [sflag:s10], $0x8000  }
0x10a: {  	[sflag:s10] =	ssyncset.done $0x0  }
0x10b: {  	s1 =	rddreg [dreg:$0x8];
	[sflag:s10] =	ssyncadd.s32 $0xFFFF8000  }
0x10c: {  	[hbm4b:s1+s2] =	stream.linear.scatter [tilespmem:s8], [sflag:$0x2], $0x8000, $0x38;
	v63 =	vld [tilespmem:$0x0]  }
0x10d: {  	s0 =	rddreg [dreg:$0x9]  }
0x10e: {  	[hbm4b:s0+s2] =	stream.linear.scatter [tilespmem:s8], [sflag:$0x2], $0x8000, $0x38;
	v63 =	vld [tilespmem:$0x0]  }
0x10f: {  	_ =	swait.ge [sflag:s11], $0x1000  }
0x110: {  	[sflag:s11] =	ssyncset.done $0x0  }
0x111: {  	s1 =	rddreg [dreg:$0xa];
	[sflag:s11] =	ssyncadd.s32 $0xFFFFF000  }
0x112: {  	[hbm:s1], [sflag:s12] =	dma.local [spmem:s9], $0x1000  }
0x113: {  	s0 =	rddreg [dreg:$0xb]  }
0x114: {  	[hbm:s0], [sflag:s12] =	dma.local [spmem:s9], $0x1000  }
0x115: {  	_ =	swait.ge [sflag:s13], $0x8000  }
0x116: {  	[sflag:s13] =	ssyncset.done $0x0  }
0x117: {  	[sflag:s13] =	ssyncadd.s32 $0xFFFF8000  }
0x118: {  	_ =	swait.ge [sflag:s13], $0x8000  }
0x119: {  	[sflag:s13] =	ssyncset.done $0x0  }
0x11a: {  	[sflag:s13] =	ssyncadd.s32 $0xFFFF8000  }
0x11b: {  	[tilespmem:s8], [sflag:$0x1] =	stream.linear.gather [hbm4b:s16+s2], $0x8000, $0x38;
	v63 =	vld [tilespmem:$0x0]  }
0x11c: {  	_ =	swait.ge [sflag:s14], $0x1000  }
0x11d: {  	[sflag:s14] =	ssyncset.done $0x0  }
0x11e: {  	[sflag:s14] =	ssyncadd.s32 $0xFFFFF000  }
0x11f: {  	_ =	swait.ge [sflag:s14], $0x1000  }
0x120: {  	[sflag:s14] =	ssyncset.done $0x0  }
0x121: {  	[sflag:s14] =	ssyncadd.s32 $0xFFFFF000  }
0x122: {  	[spmem:s9], [sflag:s5] =	dma.local [hbm:s16], $0x1000  }
0x123: {  	_ =	swait.ge [sflag:s10], $0x8000  }
0x124: {  	[sflag:s10] =	ssyncset.done $0x0  }
0x125: {  	s0 =	rddreg [dreg:$0xc];
	[sflag:s10] =	ssyncadd.s32 $0xFFFF8000  }
0x126: {  	[hbm4b:s0+s2] =	stream.linear.scatter [tilespmem:s2], [sflag:$0x2], $0x8000, $0x38;
	v63 =	vld [tilespmem:$0x0]  }
0x127: {  	s1 =	rddreg [dreg:$0xd]  }
0x128: {  	[hbm4b:s1+s2] =	stream.linear.scatter [tilespmem:s2], [sflag:$0x2], $0x8000, $0x38;
	v63 =	vld [tilespmem:$0x0]  }
0x129: {  	_ =	swait.ge [sflag:s11], $0x1000  }
0x12a: {  	[sflag:s11] =	ssyncset.done $0x0  }
0x12b: {  	s1 =	rddreg [dreg:$0xe];
	[sflag:s11] =	ssyncadd.s32 $0xFFFFF000  }
0x12c: {  	[hbm:s1], [sflag:s12] =	dma.local [spmem:s7], $0x1000  }
0x12d: {  	s0 =	rddreg [dreg:$0xf]  }
0x12e: {  	[hbm:s0], [sflag:s12] =	dma.local [spmem:s7], $0x1000  }
0x12f: {  	_ =	swait.ge [sflag:s13], $0x8000  }
0x130: {  	[sflag:s13] =	ssyncset.done $0x0  }
0x131: {  	[sflag:s13] =	ssyncadd.s32 $0xFFFF8000  }
0x132: {  	_ =	swait.ge [sflag:s13], $0x8000  }
0x133: {  	[sflag:s13] =	ssyncset.done $0x0  }
0x134: {  	[sflag:s13] =	ssyncadd.s32 $0xFFFF8000  }
0x135: {  	[tilespmem:s2], [sflag:$0x1] =	stream.linear.gather [hbm4b:s17+s2], $0x8000, $0x38;
	v63 =	vld [tilespmem:$0x0]  }
0x136: {  	_ =	swait.ge [sflag:s14], $0x1000  }
0x137: {  	[sflag:s14] =	ssyncset.done $0x0  }
0x138: {  	[sflag:s14] =	ssyncadd.s32 $0xFFFFF000  }
0x139: {  	_ =	swait.ge [sflag:s14], $0x1000  }
0x13a: {  	[sflag:s14] =	ssyncset.done $0x0  }
0x13b: {  	[sflag:s14] =	ssyncadd.s32 $0xFFFFF000  }
0x13c: {  	[spmem:s7], [sflag:s5] =	dma.local [hbm:s17], $0x1000  }
0x13d: {  	_ =	swait.ge [sflag:s10], $0x8000  }
0x13e: {  	[sflag:s10] =	ssyncset.done $0x0  }
0x13f: {  	s0 =	rddreg [dreg:$0x10];
	[sflag:s10] =	ssyncadd.s32 $0xFFFF8000  }
0x140: {  	[hbm4b:s0+s2] =	stream.linear.scatter [tilespmem:s8], [sflag:$0x2], $0x8000, $0x38;
	v63 =	vld [tilespmem:$0x0]  }
0x141: {  	s1 =	rddreg [dreg:$0x11]  }
0x142: {  	[hbm4b:s1+s2] =	stream.linear.scatter [tilespmem:s8], [sflag:$0x2], $0x8000, $0x38;
	v63 =	vld [tilespmem:$0x0]  }
0x143: {  	_ =	swait.ge [sflag:s11], $0x1000  }
0x144: {  	[sflag:s11] =	ssyncset.done $0x0  }
0x145: {  	s1 =	rddreg [dreg:$0x12];
	[sflag:s11] =	ssyncadd.s32 $0xFFFFF000  }
0x146: {  	[hbm:s1], [sflag:s12] =	dma.local [spmem:s9], $0x1000  }
0x147: {  	s0 =	rddreg [dreg:$0x13]  }
0x148: {  	[hbm:s0], [sflag:s12] =	dma.local [spmem:s9], $0x1000  }
0x149: {  	_ =	swait.ge [sflag:s13], $0x8000  }
0x14a: {  	[sflag:s13] =	ssyncset.done $0x0  }
0x14b: {  	[sflag:s13] =	ssyncadd.s32 $0xFFFF8000  }
0x14c: {  	_ =	swait.ge [sflag:s13], $0x8000  }
0x14d: {  	[sflag:s13] =	ssyncset.done $0x0  }
0x14e: {  	[sflag:s13] =	ssyncadd.s32 $0xFFFF8000  }
0x14f: {  	[tilespmem:s8], [sflag:$0x1] =	stream.linear.gather [hbm4b:s18+s2], $0x8000, $0x38;
	v63 =	vld [tilespmem:$0x0]  }
0x150: {  	_ =	swait.ge [sflag:s14], $0x1000  }
0x151: {  	[sflag:s14] =	ssyncset.done $0x0  }
0x152: {  	[sflag:s14] =	ssyncadd.s32 $0xFFFFF000  }
0x153: {  	_ =	swait.ge [sflag:s14], $0x1000  }
0x154: {  	[sflag:s14] =	ssyncset.done $0x0  }
0x155: {  	[sflag:s14] =	ssyncadd.s32 $0xFFFFF000  }
0x156: {  	[spmem:s9], [sflag:s5] =	dma.local [hbm:s18], $0x1000  }
0x157: {  	_ =	swait.ge [sflag:s10], $0x8000  }
0x158: {  	[sflag:s10] =	ssyncset.done $0x0  }
0x159: {  	s0 =	rddreg [dreg:$0x14];
	[sflag:s10] =	ssyncadd.s32 $0xFFFF8000  }
0x15a: {  	[hbm4b:s0+s2] =	stream.linear.scatter [tilespmem:s2], [sflag:$0x2], $0x8000, $0x38;
	v63 =	vld [tilespmem:$0x0]  }
0x15b: {  	s1 =	rddreg [dreg:$0x15]  }
0x15c: {  	[hbm4b:s1+s2] =	stream.linear.scatter [tilespmem:s2], [sflag:$0x2], $0x8000, $0x38;
	v63 =	vld [tilespmem:$0x0]  }
0x15d: {  	_ =	swait.ge [sflag:s11], $0x1000  }
0x15e: {  	[sflag:s11] =	ssyncset.done $0x0  }
0x15f: {  	s1 =	rddreg [dreg:$0x16];
	[sflag:s11] =	ssyncadd.s32 $0xFFFFF000  }
0x160: {  	[hbm:s1], [sflag:s12] =	dma.local [spmem:s7], $0x1000  }
0x161: {  	s0 =	rddreg [dreg:$0x17]  }
0x162: {  	[hbm:s0], [sflag:s12] =	dma.local [spmem:s7], $0x1000  }
0x163: {  	_ =	swait.ge [sflag:s13], $0x8000  }
0x164: {  	[sflag:s13] =	ssyncset.done $0x0  }
0x165: {  	[sflag:s13] =	ssyncadd.s32 $0xFFFF8000  }
0x166: {  	_ =	swait.ge [sflag:s13], $0x8000  }
0x167: {  	[sflag:s13] =	ssyncset.done $0x0  }
0x168: {  	[sflag:s13] =	ssyncadd.s32 $0xFFFF8000  }
0x169: {  	[tilespmem:s2], [sflag:$0x1] =	stream.linear.gather [hbm4b:s19+s2], $0x8000, $0x38;
	v63 =	vld [tilespmem:$0x0]  }
0x16a: {  	_ =	swait.ge [sflag:s14], $0x1000  }
0x16b: {  	[sflag:s14] =	ssyncset.done $0x0  }
0x16c: {  	[sflag:s14] =	ssyncadd.s32 $0xFFFFF000  }
0x16d: {  	_ =	swait.ge [sflag:s14], $0x1000  }
0x16e: {  	[sflag:s14] =	ssyncset.done $0x0  }
0x16f: {  	[sflag:s14] =	ssyncadd.s32 $0xFFFFF000  }
0x170: {  	[spmem:s7], [sflag:s5] =	dma.local [hbm:s19], $0x1000  }
0x171: {  	_ =	swait.ge [sflag:s10], $0x8000  }
0x172: {  	[sflag:s10] =	ssyncset.done $0x0  }
0x173: {  	s0 =	rddreg [dreg:$0x18];
	[sflag:s10] =	ssyncadd.s32 $0xFFFF8000  }
0x174: {  	[hbm4b:s0+s2] =	stream.linear.scatter [tilespmem:s8], [sflag:$0x2], $0x8000, $0x38;
	v63 =	vld [tilespmem:$0x0]  }
0x175: {  	s1 =	rddreg [dreg:$0x19]  }
0x176: {  	[hbm4b:s1+s2] =	stream.linear.scatter [tilespmem:s8], [sflag:$0x2], $0x8000, $0x38;
	v63 =	vld [tilespmem:$0x0]  }
0x177: {  	_ =	swait.ge [sflag:s11], $0x1000  }
0x178: {  	[sflag:s11] =	ssyncset.done $0x0  }
0x179: {  	s1 =	rddreg [dreg:$0x1a];
	[sflag:s11] =	ssyncadd.s32 $0xFFFFF000  }
0x17a: {  	[hbm:s1], [sflag:s12] =	dma.local [spmem:s9], $0x1000  }
0x17b: {  	[hbm:s20], [sflag:s12] =	dma.local [spmem:s9], $0x1000  }
0x17c: {  	_ =	swait.ge [sflag:s13], $0x8000  }
0x17d: {  	[sflag:s13] =	ssyncset.done $0x0  }
0x17e: {  	[sflag:s13] =	ssyncadd.s32 $0xFFFF8000  }
0x17f: {  	_ =	swait.ge [sflag:s13], $0x8000  }
0x180: {  	[sflag:s13] =	ssyncset.done $0x0  }
0x181: {  	[sflag:s13] =	ssyncadd.s32 $0xFFFF8000  }
0x182: {  	[tilespmem:s8], [sflag:$0x1] =	stream.linear.gather [hbm4b:s21+s2], $0x8000, $0x38;
	v63 =	vld [tilespmem:$0x0]  }
0x183: {  	_ =	swait.ge [sflag:s14], $0x1000  }
0x184: {  	[sflag:s14] =	ssyncset.done $0x0  }
0x185: {  	[sflag:s14] =	ssyncadd.s32 $0xFFFFF000  }
0x186: {  	_ =	swait.ge [sflag:s14], $0x1000  }
0x187: {  	[sflag:s14] =	ssyncset.done $0x0  }
0x188: {  	[sflag:s14] =	ssyncadd.s32 $0xFFFFF000  }
0x189: {  	[spmem:s9], [sflag:s5] =	dma.local [hbm:s21], $0x1000  }
0x18a: {  	_ =	swait.ge [sflag:s10], $0x8000  }
0x18b: {  	[sflag:s10] =	ssyncset.done $0x0  }
0x18c: {  	[sflag:s10] =	ssyncadd.s32 $0xFFFF8000  }
0x18d: {  	[hbm4b:s22+s2] =	stream.linear.scatter [tilespmem:s2], [sflag:$0x2], $0x8000, $0x38;
	v63 =	vld [tilespmem:$0x0]  }
0x18e: {  	_ = 	snop  }
0x18f: {  	[hbm4b:s23+s2] =	stream.linear.scatter [tilespmem:s2], [sflag:$0x2], $0x8000, $0x38;
	v63 =	vld [tilespmem:$0x0]  }
0x190: {  	_ =	swait.ge [sflag:s11], $0x1000  }
0x191: {  	[sflag:s11] =	ssyncset.done $0x0  }
0x192: {  	[sflag:s11] =	ssyncadd.s32 $0xFFFFF000  }
0x193: {  	[hbm:s24], [sflag:s12] =	dma.local [spmem:s7], $0x1000  }
0x194: {  	[hbm:s25], [sflag:s12] =	dma.local [spmem:s7], $0x1000  }
0x195: {  	_ =	swait.ge [sflag:s10], $0x8000  }
0x196: {  	[sflag:s10] =	ssyncset.done $0x0  }
0x197: {  	[sflag:s10] =	ssyncadd.s32 $0xFFFF8000  }
0x198: {  	[hbm4b:s26+s2] =	stream.linear.scatter [tilespmem:s8], [sflag:$0x2], $0x8000, $0x38;
	v63 =	vld [tilespmem:$0x0]  }
0x199: {  	_ = 	snop  }
0x19a: {  	[hbm4b:s28+s2] =	stream.linear.scatter [tilespmem:s8], [sflag:$0x2], $0x8000, $0x38;
	v63 =	vld [tilespmem:$0x0]  }
0x19b: {  	_ =	swait.ge [sflag:s11], $0x1000  }
0x19c: {  	[sflag:s11] =	ssyncset.done $0x0  }
0x19d: {  	[sflag:s11] =	ssyncadd.s32 $0xFFFFF000  }
0x19e: {  	[hbm:s29], [sflag:s12] =	dma.local [spmem:s9], $0x1000  }
0x19f: {  	[hbm:s30], [sflag:s12] =	dma.local [spmem:s9], $0x1000  }
0x1a0: {  	_ =	swait.ge [sflag:s13], $0x8000  }
0x1a1: {  	[sflag:s13] =	ssyncset.done $0x0  }
0x1a2: {  	[sflag:s13] =	ssyncadd.s32 $0xFFFF8000  }
0x1a3: {  	_ =	swait.ge [sflag:s13], $0x8000  }
0x1a4: {  	[sflag:s13] =	ssyncset.done $0x0  }
0x1a5: {  	[sflag:s13] =	ssyncadd.s32 $0xFFFF8000  }
0x1a6: {  	_ =	swait.ge [sflag:s13], $0x8000  }
0x1a7: {  	[sflag:s13] =	ssyncset.done $0x0  }
0x1a8: {  	[sflag:s13] =	ssyncadd.s32 $0xFFFF8000  }
0x1a9: {  	_ =	swait.ge [sflag:s13], $0x8000  }
0x1aa: {  	[sflag:s13] =	ssyncset.done $0x0  }
0x1ab: {  	[sflag:s13] =	ssyncadd.s32 $0xFFFF8000  }
0x1ac: {  	_ =	swait.ge [sflag:s14], $0x1000  }
0x1ad: {  	[sflag:s14] =	ssyncset.done $0x0  }
0x1ae: {  	[sflag:s14] =	ssyncadd.s32 $0xFFFFF000  }
0x1af: {  	_ =	swait.ge [sflag:s14], $0x1000  }
0x1b0: {  	[sflag:s14] =	ssyncset.done $0x0  }
0x1b1: {  	p0 =	sne.s32 s31, $0x1;
	[sflag:s14] =	ssyncadd.s32 $0xFFFFF000  }
.Ltmp1:
0x1b2: {  	_ =	swait.ge [sflag:s14], $0x1000;
	(pc) =	sbr.rel @p0 .LBB2_1-.Ltmp1, $4  }
0x1b3: {  	[sflag:s14] =	ssyncset.done $0x0  }
0x1b4: {  	[sflag:s14] =	ssyncadd.s32 $0xFFFFF000  }
0x1b5: {  	_ =	swait.ge [sflag:s14], $0x1000  }
0x1b6: {  	s31 =	sadd.s32 $0xFFFFFFFF, s31;
	[sflag:s14] =	ssyncset.done $0x0  }
.LBB2_2:
0x1b7: {  	[sflag:s14] =	ssyncadd.s32 $0xFFFFF000  }
0x1b8: {  	_ =	sfence.sel $0x180000  }
0x1b9: {  	[bflag:$0x0] =	sbarrier.arrive $0xFFFF  }
0x1ba: {  	_ =	strace $0x90000047  }
0x1bb: {  	s0 =	stileid.u32;
	[bflag:$0x2] =	sbarrier.arrive $0xFFFF  }
0x1bc: {  	p0 =	sne.s32 s0, $0x0;
	s0 =	rddreg [dreg:$0x4]  }
0x1bd: {  	s0 =	sadd.s32 @!p0 $0x100000, s0  }
0x1be: {  	[sflag:s0] =	ssyncadd.tile.s32 @!p0 $0x1;
	_ =	shalt  }
.Lfunc_end2:
_tile_overlayer_lowered:
.L_overlay_start_2:
0x1bf: {  	(tag) =	ssettag $0x2  }
0x1c0: {  	s0 =	rddreg [dreg:$0x0];
	s2 =	stileid.u32  }
0x1c1: {  	s1 =	rddreg [dreg:$0x1];
	p0 =	sne.s32 s2, $0x0  }
0x1c2: {  	s3 =	rddreg [dreg:$0x2];
	[bflag:$0x3] =	sbarrier.arrive $0xFFFF;
	s2 =	simm.s32 @!p0 $0x1C05  }
0x1c3: {  	[timem:s3], [sflag:s2] =	dma.local @!p0 [hbm:s0], s1  }
0x1c4: {  	s0 =	simm.s32 @!p0 $0x5  }
0x1c5: {  	_ =	swait.ge @!p0 [sflag:s0], s1  }
0x1c6: {  	s1 =	ssub.s32 @!p0 $0x0, s1;
	[sflag:s0] =	ssyncset.done @!p0 $0x0  }
0x1c7: {  	[sflag:s0] =	ssyncadd.s32 @!p0 s1  }
0x1c8: {  	[bflag:$0x3] =	sbarrier.arrive $0xFFFF  }
0x1c9: {  	_ =	shalt  }

</sc_bundles>
